<compile_context>
chip_gen: v7x
topology: tpu7x:2x2x1
jax: 0.10.2.dev20260603
libtpu: 0.0.44.dev20260713+nightly
codegen_flags: <defaults>
</compile_context>

<pallas_src>
import functools

import jax
import jax.numpy as jnp
from jax import lax
from jax.experimental import pallas as pl
from jax.experimental.pallas import tpu as pltpu
from jax.experimental.pallas import tpu_sc as plsc

N_NODES = 10000
D = 128
N_EDGES = 320000
BN_EPS = 1e-5

NC = 2
NS = 16
NW = NC * NS
CH = 128
NCH = 80
EPW = NCH * CH
E_PAD = NW * EPW
SLAB = 8
NSLAB = NCH // SLAB
NBUF = 2
PAD_N = 10240
ROWS_PER_TILE = PAD_N // NS


def _sc_aggregate(x, src, dst, zeros):
  mesh = plsc.VectorSubcoreMesh(
      core_axis_name="c", subcore_axis_name="s", num_cores=NC, num_subcores=NS
  )

  @functools.partial(
      pl.kernel,
      out_type=jax.ShapeDtypeStruct((NC, PAD_N, D), jnp.float32),
      mesh=mesh,
      scratch_types=[
          pltpu.VMEM((EPW,), jnp.int32),
          pltpu.VMEM((2 * SLAB, CH), jnp.int32),
          pltpu.VMEM((NBUF, CH, D), jnp.float32),
          pltpu.VMEM_SHARED((PAD_N, D), jnp.float32),
          [pltpu.SemaphoreType.DMA] * NBUF,
          [pltpu.SemaphoreType.DMA] * NBUF,
          [pltpu.SemaphoreType.DMA] * 2,
      ],
  )
  def body(x_hbm, src_hbm, dst_hbm, zeros_hbm, out_hbm,
           src_v, dst_v, rows_v, agg_sh, gsems, ssems, dsems):
    c = lax.axis_index("c")
    s = lax.axis_index("s")
    wid = s * NC + c

    pltpu.sync_copy(zeros_hbm.at[pl.ds(s * ROWS_PER_TILE, ROWS_PER_TILE)],
                    agg_sh.at[pl.ds(s * ROWS_PER_TILE, ROWS_PER_TILE)])
    pltpu.sync_copy(src_hbm.at[wid], src_v)
    plsc.subcore_barrier()

    def refill(sg, p):
      pltpu.async_copy(dst_hbm.at[wid].at[pl.ds(sg * SLAB, SLAB)],
                       dst_v.at[pl.ds(p * SLAB, SLAB)], dsems[p])

    def refill_wait(p):
      pltpu.make_async_copy(dst_hbm.at[0].at[pl.ds(0, SLAB)],
                            dst_v.at[pl.ds(p * SLAB, SLAB)], dsems[p]).wait()

    def gather(k, b):
      pltpu.async_copy(x_hbm.at[src_v.at[pl.ds(k * CH, CH)]], rows_v.at[b],
                       gsems[b])

    def gather_wait(b):
      pltpu.make_async_copy(x_hbm.at[src_v.at[pl.ds(0, CH)]], rows_v.at[b],
                            gsems[b]).wait()

    def scatter(row, b):
      pltpu.async_copy(rows_v.at[b], agg_sh.at[dst_v.at[row]], ssems[b],
                       add=True)

    def scatter_wait(b):
      pltpu.make_async_copy(rows_v.at[b], agg_sh.at[dst_v.at[0]],
                            ssems[b]).wait()

    refill(0, 0)
    refill(1, 1)

    def outer(sg2, carry):
      for p in range(2):
        sg = 2 * sg2 + p
        refill_wait(p)
        for t in range(SLAB):
          k = SLAB * sg + t
          gather(k, 0)
          gather_wait(0)
          scatter(p * SLAB + t, 0)
          scatter_wait(0)
        refill(jnp.minimum(sg + 2, NSLAB - 1), p)
      return carry

    lax.fori_loop(0, NSLAB // 2, outer, 0, unroll=1)
    for p in range(2):
      refill_wait(p)
    plsc.subcore_barrier()

    pltpu.sync_copy(agg_sh.at[pl.ds(s * ROWS_PER_TILE, ROWS_PER_TILE)],
                    out_hbm.at[c].at[pl.ds(s * ROWS_PER_TILE, ROWS_PER_TILE)])

  return body(x, src.reshape(NW, EPW), dst.reshape(NW, NCH, CH), zeros)


BLK = 400


def _tc_body(x_ref, a0_ref, a1_ref, w1_ref, b1_ref, w2_ref, b2_ref, o_ref):
  xb = x_ref[...]
  h = xb + a0_ref[...] + a1_ref[...]
  h = jnp.maximum(
      jnp.dot(h, w1_ref[...], preferred_element_type=jnp.float32) + b1_ref[...],
      0.0)
  o_ref[...] = (
      jnp.dot(h, w2_ref[...], preferred_element_type=jnp.float32)
      + b2_ref[...] + xb)


def _tc_mlp(x, agg0, agg1, w1t, b1, w2f, b2f):
  grid = (N_NODES // BLK,)
  row_spec = pl.BlockSpec((BLK, D), lambda i: (i, 0))
  full_spec = pl.BlockSpec((D, D), lambda i: (0, 0))
  vec_spec = pl.BlockSpec((1, D), lambda i: (0, 0))
  return pl.pallas_call(
      _tc_body,
      grid=grid,
      in_specs=[row_spec, row_spec, row_spec,
                full_spec, vec_spec, full_spec, vec_spec],
      out_specs=row_spec,
      out_shape=jax.ShapeDtypeStruct((N_NODES, D), jnp.float32),
  )(x, agg0, agg1, w1t, b1.reshape(1, D), w2f, b2f.reshape(1, D))


def kernel(x, edge_index, W1, b1, W2, b2, gamma, beta, running_mean,
           running_var):
  src = edge_index[0].astype(jnp.int32)
  dst = edge_index[1].astype(jnp.int32)
  n_pad = E_PAD - N_EDGES
  src = jnp.concatenate([src, jnp.zeros((n_pad,), jnp.int32)])
  dst = jnp.concatenate([dst, jnp.full((n_pad,), PAD_N - 1, jnp.int32)])
  zeros = jnp.zeros((PAD_N, D), jnp.float32)
  agg = _sc_aggregate(x, src, dst, zeros)

  scale = gamma / jnp.sqrt(running_var + BN_EPS)
  w1t = W1.T
  w2f = W2.T * scale[None, :]
  b2f = b2 * scale + (beta - running_mean * scale)
  return _tc_mlp(x, agg[0, :N_NODES], agg[1, :N_NODES], w1t, b1, w2f, b2f)

# --- scband reference (transcript-rebuilt; emitter-appended) ---
"""Pipeline reference for scband-ginlayer-47210280517997 (READ-ONLY COPY).

The authoritative reference and input builder live on the scoring server;
editing this copy changes nothing except your own understanding.
"""

import jax, jax.numpy as jnp
import numpy as np

N_NODES = 10000
N_EDGES = 320000
D_IN = 128
D_HID = 128
D_OUT = 128
BN_EPS = 1e-5


def setup_inputs(seed: int = 0) -> dict:
    key = jax.random.key(seed)
    ks = jax.random.split(key, 8)
    x = jax.random.normal(ks[0], (N_NODES, D_IN), dtype=jnp.float32)
    edge_index = jax.random.randint(ks[1], (2, N_EDGES), 0, N_NODES, dtype=jnp.int64)
    # MLP params (torch Linear: y = x @ W.T + b), kaiming-ish scale
    W1 = jax.random.normal(ks[2], (D_HID, D_IN), dtype=jnp.float32) * (1.0 / np.sqrt(D_IN))
    b1 = jnp.zeros((D_HID,), dtype=jnp.float32)
    W2 = jax.random.normal(ks[3], (D_OUT, D_HID), dtype=jnp.float32) * (1.0 / np.sqrt(D_HID))
    b2 = jnp.zeros((D_OUT,), dtype=jnp.float32)
    # BatchNorm1d params/buffers (inference mode)
    gamma = jnp.ones((D_OUT,), dtype=jnp.float32)
    beta = jnp.zeros((D_OUT,), dtype=jnp.float32)
    running_mean = jnp.zeros((D_OUT,), dtype=jnp.float32)
    running_var = jnp.ones((D_OUT,), dtype=jnp.float32)
    return {
        "x": x,
        "edge_index": edge_index,
        "W1": W1,
        "b1": b1,
        "W2": W2,
        "b2": b2,
        "gamma": gamma,
        "beta": beta,
        "running_mean": running_mean,
        "running_var": running_var,
    }


def reference(x, edge_index, W1, b1, W2, b2, gamma, beta, running_mean, running_var):
    src = edge_index[0]
    dst = edge_index[1]
    # GINConv sum aggregation: gather neighbor (src) features, scatter-add to dst
    msgs = jnp.take(x, src, axis=0)
    agg = jax.ops.segment_sum(msgs, dst, num_segments=N_NODES)
    eps = 0.0  # train_eps=False, eps initialized to 0
    h = (1.0 + eps) * x + agg
    # gin_net MLP: Linear -> ReLU -> Linear
    h = jnp.maximum(h @ W1.T + b1, 0.0)
    h = h @ W2.T + b2
    # BatchNorm1d (eval/inference semantics with running stats)
    h = (h - running_mean) / jnp.sqrt(running_var + BN_EPS) * gamma + beta
    # residual
    h = h + x
    # dropout p=0.0 -> identity
    return h

if __name__ == "__main__":
    import jax
    _d = setup_inputs()
    print(jax.jit(kernel)(*tuple(_d.values())))

</pallas_src>

<mosaic_0001>
#map = affine_map<(d0, d1) -> (0, 0)>
#map1 = affine_map<(d0, d1) -> (0, 0, 0)>
module attributes {stable_mosaic.version = 14 : i64} {
  func.func @body(%arg0: i32, %arg1: i32, %arg2: memref<10000x128xf32, #tpu.memory_space<hbm>>, %arg3: memref<32x10240xi32, #tpu.memory_space<hbm>>, %arg4: memref<32x80x128xi32, #tpu.memory_space<hbm>>, %arg5: memref<10240x128xf32, #tpu.memory_space<hbm>>, %arg6: memref<2x10240x128xf32, #tpu.memory_space<hbm>>, %arg7: memref<10240xi32, #tpu.memory_space<vmem>>, %arg8: memref<16x128xi32, #tpu.memory_space<vmem>>, %arg9: memref<2x128x128xf32, #tpu.memory_space<vmem>>, %arg10: memref<10240x128xf32, #tpu.memory_space<vmem_shared>>, %arg11: memref<!tpu.dma_semaphore, #tpu.memory_space<semaphore_mem>>, %arg12: memref<!tpu.dma_semaphore, #tpu.memory_space<semaphore_mem>>, %arg13: memref<!tpu.dma_semaphore, #tpu.memory_space<semaphore_mem>>, %arg14: memref<!tpu.dma_semaphore, #tpu.memory_space<semaphore_mem>>, %arg15: memref<!tpu.dma_semaphore, #tpu.memory_space<semaphore_mem>>, %arg16: memref<!tpu.dma_semaphore, #tpu.memory_space<semaphore_mem>>) attributes {dimension_semantics = [#tpu.dimension_semantics<core_parallel>, #tpu.dimension_semantics<subcore_parallel>], iteration_bounds = array<i64: 2, 16>, scalar_prefetch = 0 : i64, scratch_operands = 10 : i64, tpu.core_type = #tpu.core_type<sc_vector_subcore>, window_params = [{transform_indices = #map}, {transform_indices = #map}, {transform_indices = #map1}, {transform_indices = #map}, {transform_indices = #map1}]} {
    %mul3A = arith.constant 2 : i32
    %mul3A_0 = arith.muli %arg1, %mul3A : i32
    %add3A = arith.addi %mul3A_0, %arg0 : i32
    %mul3A_1 = arith.constant 640 : i32
    %mul3A_2 = arith.muli %arg1, %mul3A_1 : i32
    %mul3A_3 = arith.constant 640 : i32
    %mul3A_4 = arith.muli %arg1, %mul3A_3 : i32
    "tpu.region"() ({
      %run_scoped3A = tpu.sem_alloc : memref<!tpu.dma_semaphore, #tpu.memory_space<semaphore_mem>>
      %dma_start3A_95 = arith.constant 0 : i32
      %dma_start3A_96 = tpu.memref_slice %arg10[%mul3A_4, %dma_start3A_95] : memref<10240x128xf32, #tpu.memory_space<vmem_shared>> -> memref<640x128xf32, #tpu.memory_space<vmem_shared>>
      %dma_start3A_97 = arith.constant 0 : i32
      %dma_start3A_98 = tpu.memref_slice %arg5[%mul3A_2, %dma_start3A_97] : memref<10240x128xf32, #tpu.memory_space<hbm>> -> memref<640x128xf32, #tpu.memory_space<hbm>>
      tpu.enqueue_dma source(%dma_start3A_98 : memref<640x128xf32, #tpu.memory_space<hbm>>) target(%dma_start3A_96 : memref<640x128xf32, #tpu.memory_space<vmem_shared>>) target_semaphore(%run_scoped3A : memref<!tpu.dma_semaphore, #tpu.memory_space<semaphore_mem>>)
      %dma_wait3A_99 = arith.constant 0 : i32
      %dma_wait3A_100 = tpu.memref_slice %arg10[%mul3A_4, %dma_wait3A_99] : memref<10240x128xf32, #tpu.memory_space<vmem_shared>> -> memref<640x128xf32, #tpu.memory_space<vmem_shared>>
      %dma_wait3A_101 = arith.constant 0 : i32
      %dma_wait3A_102 = tpu.memref_slice %arg5[%mul3A_2, %dma_wait3A_101] : memref<10240x128xf32, #tpu.memory_space<hbm>> -> memref<640x128xf32, #tpu.memory_space<hbm>>
      tpu.wait_dma2 semaphore(%run_scoped3A : memref<!tpu.dma_semaphore, #tpu.memory_space<semaphore_mem>>) src(%dma_wait3A_102 : memref<640x128xf32, #tpu.memory_space<hbm>>) dst(%dma_wait3A_100 : memref<640x128xf32, #tpu.memory_space<vmem_shared>>)
      tpu.yield
    }) : () -> ()
    "tpu.region"() ({
      %run_scoped3A = tpu.sem_alloc : memref<!tpu.dma_semaphore, #tpu.memory_space<semaphore_mem>>
      %dma_start3A_95 = arith.constant 0 : i32
      %dma_start3A_96 = tpu.memref_slice %arg3[%add3A, %dma_start3A_95] : memref<32x10240xi32, #tpu.memory_space<hbm>> -> memref<1x10240xi32, #tpu.memory_space<hbm>>
      %dma_start3A_97 = tpu.memref_squeeze %dma_start3A_96 : memref<1x10240xi32, #tpu.memory_space<hbm>> -> memref<10240xi32, #tpu.memory_space<hbm>>
      %dma_start3A_98 = arith.constant 0 : i32
      %dma_start3A_99 = tpu.memref_slice %arg3[%add3A, %dma_start3A_98] : memref<32x10240xi32, #tpu.memory_space<hbm>> -> memref<1x10240xi32, #tpu.memory_space<hbm>>
      %dma_start3A_100 = tpu.memref_squeeze %dma_start3A_99 : memref<1x10240xi32, #tpu.memory_space<hbm>> -> memref<10240xi32, #tpu.memory_space<hbm>>
      tpu.enqueue_dma source(%dma_start3A_100 : memref<10240xi32, #tpu.memory_space<hbm>>) target(%arg7 : memref<10240xi32, #tpu.memory_space<vmem>>) target_semaphore(%run_scoped3A : memref<!tpu.dma_semaphore, #tpu.memory_space<semaphore_mem>>)
      %dma_wait3A_101 = arith.constant 0 : i32
      %dma_wait3A_102 = tpu.memref_slice %arg3[%add3A, %dma_wait3A_101] : memref<32x10240xi32, #tpu.memory_space<hbm>> -> memref<1x10240xi32, #tpu.memory_space<hbm>>
      %dma_wait3A_103 = tpu.memref_squeeze %dma_wait3A_102 : memref<1x10240xi32, #tpu.memory_space<hbm>> -> memref<10240xi32, #tpu.memory_space<hbm>>
      %dma_wait3A_104 = arith.constant 0 : i32
      %dma_wait3A_105 = tpu.memref_slice %arg3[%add3A, %dma_wait3A_104] : memref<32x10240xi32, #tpu.memory_space<hbm>> -> memref<1x10240xi32, #tpu.memory_space<hbm>>
      %dma_wait3A_106 = tpu.memref_squeeze %dma_wait3A_105 : memref<1x10240xi32, #tpu.memory_space<hbm>> -> memref<10240xi32, #tpu.memory_space<hbm>>
      tpu.wait_dma2 semaphore(%run_scoped3A : memref<!tpu.dma_semaphore, #tpu.memory_space<semaphore_mem>>) src(%dma_wait3A_106 : memref<10240xi32, #tpu.memory_space<hbm>>) dst(%arg7 : memref<10240xi32, #tpu.memory_space<vmem>>)
      tpu.yield
    }) : () -> ()
    %barrier3A = arith.constant 0 : index
    tpu.barrier barrier_id(%barrier3A)
    %dma_start3A = arith.constant 0 : i32
    %dma_start3A_5 = arith.constant 0 : i32
    %dma_start3A_6 = tpu.memref_slice %arg8[%dma_start3A, %dma_start3A_5] : memref<16x128xi32, #tpu.memory_space<vmem>> -> memref<8x128xi32, #tpu.memory_space<vmem>>
    %dma_start3A_7 = arith.constant 0 : i32
    %dma_start3A_8 = arith.constant 0 : i32
    %dma_start3A_9 = tpu.memref_slice %arg4[%add3A, %dma_start3A_7, %dma_start3A_8] : memref<32x80x128xi32, #tpu.memory_space<hbm>> -> memref<1x80x128xi32, #tpu.memory_space<hbm>>
    %dma_start3A_10 = tpu.memref_squeeze %dma_start3A_9 : memref<1x80x128xi32, #tpu.memory_space<hbm>> -> memref<80x128xi32, #tpu.memory_space<hbm>>
    %dma_start3A_11 = arith.constant 0 : i32
    %dma_start3A_12 = arith.constant 0 : i32
    %dma_start3A_13 = tpu.memref_slice %dma_start3A_10[%dma_start3A_11, %dma_start3A_12] : memref<80x128xi32, #tpu.memory_space<hbm>> -> memref<8x128xi32, #tpu.memory_space<hbm>>
    %dma_start3A_14 = arith.constant 0 : i32
    %dma_start3A_15 = arith.constant 0 : i32
    %dma_start3A_16 = tpu.memref_slice %arg8[%dma_start3A_14, %dma_start3A_15] : memref<16x128xi32, #tpu.memory_space<vmem>> -> memref<8x128xi32, #tpu.memory_space<vmem>>
    %dma_start3A_17 = arith.constant 0 : i32
    %dma_start3A_18 = arith.constant 0 : i32
    %dma_start3A_19 = tpu.memref_slice %arg4[%add3A, %dma_start3A_17, %dma_start3A_18] : memref<32x80x128xi32, #tpu.memory_space<hbm>> -> memref<1x80x128xi32, #tpu.memory_space<hbm>>
    %dma_start3A_20 = tpu.memref_squeeze %dma_start3A_19 : memref<1x80x128xi32, #tpu.memory_space<hbm>> -> memref<80x128xi32, #tpu.memory_space<hbm>>
    %dma_start3A_21 = arith.constant 0 : i32
    %dma_start3A_22 = arith.constant 0 : i32
    %dma_start3A_23 = tpu.memref_slice %dma_start3A_20[%dma_start3A_21, %dma_start3A_22] : memref<80x128xi32, #tpu.memory_space<hbm>> -> memref<8x128xi32, #tpu.memory_space<hbm>>
    tpu.enqueue_dma source(%dma_start3A_23 : memref<8x128xi32, #tpu.memory_space<hbm>>) target(%dma_start3A_16 : memref<8x128xi32, #tpu.memory_space<vmem>>) target_semaphore(%arg15 : memref<!tpu.dma_semaphore, #tpu.memory_space<semaphore_mem>>)
    %dma_start3A_24 = arith.constant 8 : i32
    %dma_start3A_25 = arith.constant 0 : i32
    %dma_start3A_26 = tpu.memref_slice %arg8[%dma_start3A_24, %dma_start3A_25] : memref<16x128xi32, #tpu.memory_space<vmem>> -> memref<8x128xi32, #tpu.memory_space<vmem>>
    %dma_start3A_27 = arith.constant 0 : i32
    %dma_start3A_28 = arith.constant 0 : i32
    %dma_start3A_29 = tpu.memref_slice %arg4[%add3A, %dma_start3A_27, %dma_start3A_28] : memref<32x80x128xi32, #tpu.memory_space<hbm>> -> memref<1x80x128xi32, #tpu.memory_space<hbm>>
    %dma_start3A_30 = tpu.memref_squeeze %dma_start3A_29 : memref<1x80x128xi32, #tpu.memory_space<hbm>> -> memref<80x128xi32, #tpu.memory_space<hbm>>
    %dma_start3A_31 = arith.constant 8 : i32
    %dma_start3A_32 = arith.constant 0 : i32
    %dma_start3A_33 = tpu.memref_slice %dma_start3A_30[%dma_start3A_31, %dma_start3A_32] : memref<80x128xi32, #tpu.memory_space<hbm>> -> memref<8x128xi32, #tpu.memory_space<hbm>>
    %dma_start3A_34 = arith.constant 8 : i32
    %dma_start3A_35 = arith.constant 0 : i32
    %dma_start3A_36 = tpu.memref_slice %arg8[%dma_start3A_34, %dma_start3A_35] : memref<16x128xi32, #tpu.memory_space<vmem>> -> memref<8x128xi32, #tpu.memory_space<vmem>>
    %dma_start3A_37 = arith.constant 0 : i32
    %dma_start3A_38 = arith.constant 0 : i32
    %dma_start3A_39 = tpu.memref_slice %arg4[%add3A, %dma_start3A_37, %dma_start3A_38] : memref<32x80x128xi32, #tpu.memory_space<hbm>> -> memref<1x80x128xi32, #tpu.memory_space<hbm>>
    %dma_start3A_40 = tpu.memref_squeeze %dma_start3A_39 : memref<1x80x128xi32, #tpu.memory_space<hbm>> -> memref<80x128xi32, #tpu.memory_space<hbm>>
    %dma_start3A_41 = arith.constant 8 : i32
    %dma_start3A_42 = arith.constant 0 : i32
    %dma_start3A_43 = tpu.memref_slice %dma_start3A_40[%dma_start3A_41, %dma_start3A_42] : memref<80x128xi32, #tpu.memory_space<hbm>> -> memref<8x128xi32, #tpu.memory_space<hbm>>
    tpu.enqueue_dma source(%dma_start3A_43 : memref<8x128xi32, #tpu.memory_space<hbm>>) target(%dma_start3A_36 : memref<8x128xi32, #tpu.memory_space<vmem>>) target_semaphore(%arg16 : memref<!tpu.dma_semaphore, #tpu.memory_space<semaphore_mem>>)
    %scan3A = arith.constant 0 : i32
    %scan3A_44 = arith.constant 0 : i32
    %scan3A_45 = arith.constant 5 : i32
    %scan3A_46 = arith.addi %scan3A_44, %scan3A_45 : i32
    %scan3A_47 = arith.constant 1 : i32
    scf.for %scan3A_95 = %scan3A_44 to %scan3A_46 step %scan3A_47  : i32 {
      %mul3A_96 = arith.constant 2 : i32
      %mul3A_97 = arith.muli %mul3A_96, %scan3A_95 : i32
      %add3A_98 = arith.constant 0 : i32
      %add3A_99 = arith.addi %mul3A_97, %add3A_98 : i32
      %dma_wait3A_100 = arith.constant 0 : i32
      %dma_wait3A_101 = arith.constant 0 : i32
      %dma_wait3A_102 = arith.constant 0 : i32
      %dma_wait3A_103 = tpu.memref_slice %arg8[%dma_wait3A_101, %dma_wait3A_102] : memref<16x128xi32, #tpu.memory_space<vmem>> -> memref<8x128xi32, #tpu.memory_space<vmem>>
      %dma_wait3A_104 = arith.constant 0 : i32
      %dma_wait3A_105 = arith.constant 0 : i32
      %dma_wait3A_106 = tpu.memref_slice %arg4[%dma_wait3A_100, %dma_wait3A_104, %dma_wait3A_105] : memref<32x80x128xi32, #tpu.memory_space<hbm>> -> memref<1x80x128xi32, #tpu.memory_space<hbm>>
      %dma_wait3A_107 = tpu.memref_squeeze %dma_wait3A_106 : memref<1x80x128xi32, #tpu.memory_space<hbm>> -> memref<80x128xi32, #tpu.memory_space<hbm>>
      %dma_wait3A_108 = arith.constant 0 : i32
      %dma_wait3A_109 = arith.constant 0 : i32
      %dma_wait3A_110 = tpu.memref_slice %dma_wait3A_107[%dma_wait3A_108, %dma_wait3A_109] : memref<80x128xi32, #tpu.memory_space<hbm>> -> memref<8x128xi32, #tpu.memory_space<hbm>>
      %dma_wait3A_111 = arith.constant 0 : i32
      %dma_wait3A_112 = arith.constant 0 : i32
      %dma_wait3A_113 = tpu.memref_slice %arg8[%dma_wait3A_111, %dma_wait3A_112] : memref<16x128xi32, #tpu.memory_space<vmem>> -> memref<8x128xi32, #tpu.memory_space<vmem>>
      %dma_wait3A_114 = arith.constant 0 : i32
      %dma_wait3A_115 = arith.constant 0 : i32
      %dma_wait3A_116 = tpu.memref_slice %arg4[%dma_wait3A_100, %dma_wait3A_114, %dma_wait3A_115] : memref<32x80x128xi32, #tpu.memory_space<hbm>> -> memref<1x80x128xi32, #tpu.memory_space<hbm>>
      %dma_wait3A_117 = tpu.memref_squeeze %dma_wait3A_116 : memref<1x80x128xi32, #tpu.memory_space<hbm>> -> memref<80x128xi32, #tpu.memory_space<hbm>>
      %dma_wait3A_118 = arith.constant 0 : i32
      %dma_wait3A_119 = arith.constant 0 : i32
      %dma_wait3A_120 = tpu.memref_slice %dma_wait3A_117[%dma_wait3A_118, %dma_wait3A_119] : memref<80x128xi32, #tpu.memory_space<hbm>> -> memref<8x128xi32, #tpu.memory_space<hbm>>
      tpu.wait_dma2 semaphore(%arg15 : memref<!tpu.dma_semaphore, #tpu.memory_space<semaphore_mem>>) src(%dma_wait3A_120 : memref<8x128xi32, #tpu.memory_space<hbm>>) dst(%dma_wait3A_113 : memref<8x128xi32, #tpu.memory_space<vmem>>)
      %mul3A_121 = arith.constant 8 : i32
      %mul3A_122 = arith.muli %mul3A_121, %add3A_99 : i32
      %add3A_123 = arith.constant 0 : i32
      %add3A_124 = arith.addi %mul3A_122, %add3A_123 : i32
      %mul3A_125 = arith.constant 128 : i32
      %mul3A_126 = arith.muli %add3A_124, %mul3A_125 : i32
      %dma_start3A_127 = arith.constant 0 : i32
      %dma_start3A_128 = arith.constant 0 : i32
      %dma_start3A_129 = arith.constant 0 : i32
      %dma_start3A_130 = tpu.memref_slice %arg9[%dma_start3A_127, %dma_start3A_128, %dma_start3A_129] : memref<2x128x128xf32, #tpu.memory_space<vmem>> -> memref<1x128x128xf32, #tpu.memory_space<vmem>>
      %dma_start3A_131 = tpu.memref_squeeze %dma_start3A_130 : memref<1x128x128xf32, #tpu.memory_space<vmem>> -> memref<128x128xf32, #tpu.memory_space<vmem>>
      %dma_start3A_132 = tpu.memref_slice %arg7[%mul3A_126] : memref<10240xi32, #tpu.memory_space<vmem>> -> memref<128xi32, #tpu.memory_space<vmem>>
      %dma_start3A_133 = arith.constant 0 : i32
      %dma_start3A_134 = arith.constant 0 : i32
      %dma_start3A_135 = tpu.memref_slice %arg2[%dma_start3A_133, %dma_start3A_134] : memref<10000x128xf32, #tpu.memory_space<hbm>> -> memref<10000x128xf32, #tpu.memory_space<hbm>>
      tpu.enqueue_indirect_dma source(%dma_start3A_135 : memref<10000x128xf32, #tpu.memory_space<hbm>>) target(%dma_start3A_131 : memref<128x128xf32, #tpu.memory_space<vmem>>) offsets(%dma_start3A_132 : memref<128xi32, #tpu.memory_space<vmem>>) semaphore(%arg11 : memref<!tpu.dma_semaphore, #tpu.memory_space<semaphore_mem>>)
      %dma_wait3A_136 = arith.constant 0 : i32
      %dma_wait3A_137 = arith.constant 0 : i32
      %dma_wait3A_138 = arith.constant 0 : i32
      %dma_wait3A_139 = tpu.memref_slice %arg9[%dma_wait3A_136, %dma_wait3A_137, %dma_wait3A_138] : memref<2x128x128xf32, #tpu.memory_space<vmem>> -> memref<1x128x128xf32, #tpu.memory_space<vmem>>
      %dma_wait3A_140 = tpu.memref_squeeze %dma_wait3A_139 : memref<1x128x128xf32, #tpu.memory_space<vmem>> -> memref<128x128xf32, #tpu.memory_space<vmem>>
      %dma_wait3A_141 = arith.constant 0 : i32
      %dma_wait3A_142 = tpu.memref_slice %arg7[%dma_wait3A_141] : memref<10240xi32, #tpu.memory_space<vmem>> -> memref<128xi32, #tpu.memory_space<vmem>>
      %dma_wait3A_143 = arith.constant 0 : i32
      %dma_wait3A_144 = arith.constant 0 : i32
      %dma_wait3A_145 = tpu.memref_slice %arg2[%dma_wait3A_143, %dma_wait3A_144] : memref<10000x128xf32, #tpu.memory_space<hbm>> -> memref<10000x128xf32, #tpu.memory_space<hbm>>
      tpu.wait_indirect_dma semaphore(%arg11 : memref<!tpu.dma_semaphore, #tpu.memory_space<semaphore_mem>>) src(%dma_wait3A_145 : memref<10000x128xf32, #tpu.memory_space<hbm>>) dst(%dma_wait3A_140 : memref<128x128xf32, #tpu.memory_space<vmem>>)
      %dma_start3A_146 = arith.constant 0 : i32
      %dma_start3A_147 = arith.constant 0 : i32
      %dma_start3A_148 = arith.constant 0 : i32
      %dma_start3A_149 = arith.constant 0 : i32
      %dma_start3A_150 = tpu.memref_slice %arg9[%dma_start3A_146, %dma_start3A_148, %dma_start3A_149] : memref<2x128x128xf32, #tpu.memory_space<vmem>> -> memref<1x128x128xf32, #tpu.memory_space<vmem>>
      %dma_start3A_151 = tpu.memref_squeeze %dma_start3A_150 : memref<1x128x128xf32, #tpu.memory_space<vmem>> -> memref<128x128xf32, #tpu.memory_space<vmem>>
      %dma_start3A_152 = arith.constant 0 : i32
      %dma_start3A_153 = tpu.memref_slice %arg8[%dma_start3A_147, %dma_start3A_152] : memref<16x128xi32, #tpu.memory_space<vmem>> -> memref<1x128xi32, #tpu.memory_space<vmem>>
      %dma_start3A_154 = tpu.memref_squeeze %dma_start3A_153 : memref<1x128xi32, #tpu.memory_space<vmem>> -> memref<128xi32, #tpu.memory_space<vmem>>
      %dma_start3A_155 = arith.constant 0 : i32
      %dma_start3A_156 = arith.constant 0 : i32
      %dma_start3A_157 = tpu.memref_slice %arg10[%dma_start3A_155, %dma_start3A_156] : memref<10240x128xf32, #tpu.memory_space<vmem_shared>> -> memref<10240x128xf32, #tpu.memory_space<vmem_shared>>
      tpu.enqueue_indirect_dma source(%dma_start3A_151 : memref<128x128xf32, #tpu.memory_space<vmem>>) target(%dma_start3A_157 : memref<10240x128xf32, #tpu.memory_space<vmem_shared>>) offsets(%dma_start3A_154 : memref<128xi32, #tpu.memory_space<vmem>>) semaphore(%arg13 : memref<!tpu.dma_semaphore, #tpu.memory_space<semaphore_mem>>) {add = true}
      %dma_wait3A_158 = arith.constant 0 : i32
      %dma_wait3A_159 = arith.constant 0 : i32
      %dma_wait3A_160 = arith.constant 0 : i32
      %dma_wait3A_161 = arith.constant 0 : i32
      %dma_wait3A_162 = tpu.memref_slice %arg9[%dma_wait3A_158, %dma_wait3A_160, %dma_wait3A_161] : memref<2x128x128xf32, #tpu.memory_space<vmem>> -> memref<1x128x128xf32, #tpu.memory_space<vmem>>
      %dma_wait3A_163 = tpu.memref_squeeze %dma_wait3A_162 : memref<1x128x128xf32, #tpu.memory_space<vmem>> -> memref<128x128xf32, #tpu.memory_space<vmem>>
      %dma_wait3A_164 = arith.constant 0 : i32
      %dma_wait3A_165 = tpu.memref_slice %arg8[%dma_wait3A_159, %dma_wait3A_164] : memref<16x128xi32, #tpu.memory_space<vmem>> -> memref<1x128xi32, #tpu.memory_space<vmem>>
      %dma_wait3A_166 = tpu.memref_squeeze %dma_wait3A_165 : memref<1x128xi32, #tpu.memory_space<vmem>> -> memref<128xi32, #tpu.memory_space<vmem>>
      %dma_wait3A_167 = arith.constant 0 : i32
      %dma_wait3A_168 = arith.constant 0 : i32
      %dma_wait3A_169 = tpu.memref_slice %arg10[%dma_wait3A_167, %dma_wait3A_168] : memref<10240x128xf32, #tpu.memory_space<vmem_shared>> -> memref<10240x128xf32, #tpu.memory_space<vmem_shared>>
      tpu.wait_indirect_dma semaphore(%arg13 : memref<!tpu.dma_semaphore, #tpu.memory_space<semaphore_mem>>) src(%dma_wait3A_163 : memref<128x128xf32, #tpu.memory_space<vmem>>) dst(%dma_wait3A_169 : memref<10240x128xf32, #tpu.memory_space<vmem_shared>>)
      %mul3A_170 = arith.constant 8 : i32
      %mul3A_171 = arith.muli %mul3A_170, %add3A_99 : i32
      %add3A_172 = arith.constant 1 : i32
      %add3A_173 = arith.addi %mul3A_171, %add3A_172 : i32
      %mul3A_174 = arith.constant 128 : i32
      %mul3A_175 = arith.muli %add3A_173, %mul3A_174 : i32
      %dma_start3A_176 = arith.constant 0 : i32
      %dma_start3A_177 = arith.constant 0 : i32
      %dma_start3A_178 = arith.constant 0 : i32
      %dma_start3A_179 = tpu.memref_slice %arg9[%dma_start3A_176, %dma_start3A_177, %dma_start3A_178] : memref<2x128x128xf32, #tpu.memory_space<vmem>> -> memref<1x128x128xf32, #tpu.memory_space<vmem>>
      %dma_start3A_180 = tpu.memref_squeeze %dma_start3A_179 : memref<1x128x128xf32, #tpu.memory_space<vmem>> -> memref<128x128xf32, #tpu.memory_space<vmem>>
      %dma_start3A_181 = tpu.memref_slice %arg7[%mul3A_175] : memref<10240xi32, #tpu.memory_space<vmem>> -> memref<128xi32, #tpu.memory_space<vmem>>
      %dma_start3A_182 = arith.constant 0 : i32
      %dma_start3A_183 = arith.constant 0 : i32
      %dma_start3A_184 = tpu.memref_slice %arg2[%dma_start3A_182, %dma_start3A_183] : memref<10000x128xf32, #tpu.memory_space<hbm>> -> memref<10000x128xf32, #tpu.memory_space<hbm>>
      tpu.enqueue_indirect_dma source(%dma_start3A_184 : memref<10000x128xf32, #tpu.memory_space<hbm>>) target(%dma_start3A_180 : memref<128x128xf32, #tpu.memory_space<vmem>>) offsets(%dma_start3A_181 : memref<128xi32, #tpu.memory_space<vmem>>) semaphore(%arg11 : memref<!tpu.dma_semaphore, #tpu.memory_space<semaphore_mem>>)
      %dma_wait3A_185 = arith.constant 0 : i32
      %dma_wait3A_186 = arith.constant 0 : i32
      %dma_wait3A_187 = arith.constant 0 : i32
      %dma_wait3A_188 = tpu.memref_slice %arg9[%dma_wait3A_185, %dma_wait3A_186, %dma_wait3A_187] : memref<2x128x128xf32, #tpu.memory_space<vmem>> -> memref<1x128x128xf32, #tpu.memory_space<vmem>>
      %dma_wait3A_189 = tpu.memref_squeeze %dma_wait3A_188 : memref<1x128x128xf32, #tpu.memory_space<vmem>> -> memref<128x128xf32, #tpu.memory_space<vmem>>
      %dma_wait3A_190 = arith.constant 0 : i32
      %dma_wait3A_191 = tpu.memref_slice %arg7[%dma_wait3A_190] : memref<10240xi32, #tpu.memory_space<vmem>> -> memref<128xi32, #tpu.memory_space<vmem>>
      %dma_wait3A_192 = arith.constant 0 : i32
      %dma_wait3A_193 = arith.constant 0 : i32
      %dma_wait3A_194 = tpu.memref_slice %arg2[%dma_wait3A_192, %dma_wait3A_193] : memref<10000x128xf32, #tpu.memory_space<hbm>> -> memref<10000x128xf32, #tpu.memory_space<hbm>>
      tpu.wait_indirect_dma semaphore(%arg11 : memref<!tpu.dma_semaphore, #tpu.memory_space<semaphore_mem>>) src(%dma_wait3A_194 : memref<10000x128xf32, #tpu.memory_space<hbm>>) dst(%dma_wait3A_189 : memref<128x128xf32, #tpu.memory_space<vmem>>)
      %dma_start3A_195 = arith.constant 0 : i32
      %dma_start3A_196 = arith.constant 1 : i32
      %dma_start3A_197 = arith.constant 0 : i32
      %dma_start3A_198 = arith.constant 0 : i32
      %dma_start3A_199 = tpu.memref_slice %arg9[%dma_start3A_195, %dma_start3A_197, %dma_start3A_198] : memref<2x128x128xf32, #tpu.memory_space<vmem>> -> memref<1x128x128xf32, #tpu.memory_space<vmem>>
      %dma_start3A_200 = tpu.memref_squeeze %dma_start3A_199 : memref<1x128x128xf32, #tpu.memory_space<vmem>> -> memref<128x128xf32, #tpu.memory_space<vmem>>
      %dma_start3A_201 = arith.constant 0 : i32
      %dma_start3A_202 = tpu.memref_slice %arg8[%dma_start3A_196, %dma_start3A_201] : memref<16x128xi32, #tpu.memory_space<vmem>> -> memref<1x128xi32, #tpu.memory_space<vmem>>
      %dma_start3A_203 = tpu.memref_squeeze %dma_start3A_202 : memref<1x128xi32, #tpu.memory_space<vmem>> -> memref<128xi32, #tpu.memory_space<vmem>>
      %dma_start3A_204 = arith.constant 0 : i32
      %dma_start3A_205 = arith.constant 0 : i32
      %dma_start3A_206 = tpu.memref_slice %arg10[%dma_start3A_204, %dma_start3A_205] : memref<10240x128xf32, #tpu.memory_space<vmem_shared>> -> memref<10240x128xf32, #tpu.memory_space<vmem_shared>>
      tpu.enqueue_indirect_dma source(%dma_start3A_200 : memref<128x128xf32, #tpu.memory_space<vmem>>) target(%dma_start3A_206 : memref<10240x128xf32, #tpu.memory_space<vmem_shared>>) offsets(%dma_start3A_203 : memref<128xi32, #tpu.memory_space<vmem>>) semaphore(%arg13 : memref<!tpu.dma_semaphore, #tpu.memory_space<semaphore_mem>>) {add = true}
      %dma_wait3A_207 = arith.constant 0 : i32
      %dma_wait3A_208 = arith.constant 0 : i32
      %dma_wait3A_209 = arith.constant 0 : i32
      %dma_wait3A_210 = arith.constant 0 : i32
      %dma_wait3A_211 = tpu.memref_slice %arg9[%dma_wait3A_207, %dma_wait3A_209, %dma_wait3A_210] : memref<2x128x128xf32, #tpu.memory_space<vmem>> -> memref<1x128x128xf32, #tpu.memory_space<vmem>>
      %dma_wait3A_212 = tpu.memref_squeeze %dma_wait3A_211 : memref<1x128x128xf32, #tpu.memory_space<vmem>> -> memref<128x128xf32, #tpu.memory_space<vmem>>
      %dma_wait3A_213 = arith.constant 0 : i32
      %dma_wait3A_214 = tpu.memref_slice %arg8[%dma_wait3A_208, %dma_wait3A_213] : memref<16x128xi32, #tpu.memory_space<vmem>> -> memref<1x128xi32, #tpu.memory_space<vmem>>
      %dma_wait3A_215 = tpu.memref_squeeze %dma_wait3A_214 : memref<1x128xi32, #tpu.memory_space<vmem>> -> memref<128xi32, #tpu.memory_space<vmem>>
      %dma_wait3A_216 = arith.constant 0 : i32
      %dma_wait3A_217 = arith.constant 0 : i32
      %dma_wait3A_218 = tpu.memref_slice %arg10[%dma_wait3A_216, %dma_wait3A_217] : memref<10240x128xf32, #tpu.memory_space<vmem_shared>> -> memref<10240x128xf32, #tpu.memory_space<vmem_shared>>
      tpu.wait_indirect_dma semaphore(%arg13 : memref<!tpu.dma_semaphore, #tpu.memory_space<semaphore_mem>>) src(%dma_wait3A_212 : memref<128x128xf32, #tpu.memory_space<vmem>>) dst(%dma_wait3A_218 : memref<10240x128xf32, #tpu.memory_space<vmem_shared>>)
      %mul3A_219 = arith.constant 8 : i32
      %mul3A_220 = arith.muli %mul3A_219, %add3A_99 : i32
      %add3A_221 = arith.constant 2 : i32
      %add3A_222 = arith.addi %mul3A_220, %add3A_221 : i32
      %mul3A_223 = arith.constant 128 : i32
      %mul3A_224 = arith.muli %add3A_222, %mul3A_223 : i32
      %dma_start3A_225 = arith.constant 0 : i32
      %dma_start3A_226 = arith.constant 0 : i32
      %dma_start3A_227 = arith.constant 0 : i32
      %dma_start3A_228 = tpu.memref_slice %arg9[%dma_start3A_225, %dma_start3A_226, %dma_start3A_227] : memref<2x128x128xf32, #tpu.memory_space<vmem>> -> memref<1x128x128xf32, #tpu.memory_space<vmem>>
      %dma_start3A_229 = tpu.memref_squeeze %dma_start3A_228 : memref<1x128x128xf32, #tpu.memory_space<vmem>> -> memref<128x128xf32, #tpu.memory_space<vmem>>
      %dma_start3A_230 = tpu.memref_slice %arg7[%mul3A_224] : memref<10240xi32, #tpu.memory_space<vmem>> -> memref<128xi32, #tpu.memory_space<vmem>>
      %dma_start3A_231 = arith.constant 0 : i32
      %dma_start3A_232 = arith.constant 0 : i32
      %dma_start3A_233 = tpu.memref_slice %arg2[%dma_start3A_231, %dma_start3A_232] : memref<10000x128xf32, #tpu.memory_space<hbm>> -> memref<10000x128xf32, #tpu.memory_space<hbm>>
      tpu.enqueue_indirect_dma source(%dma_start3A_233 : memref<10000x128xf32, #tpu.memory_space<hbm>>) target(%dma_start3A_229 : memref<128x128xf32, #tpu.memory_space<vmem>>) offsets(%dma_start3A_230 : memref<128xi32, #tpu.memory_space<vmem>>) semaphore(%arg11 : memref<!tpu.dma_semaphore, #tpu.memory_space<semaphore_mem>>)
      %dma_wait3A_234 = arith.constant 0 : i32
      %dma_wait3A_235 = arith.constant 0 : i32
      %dma_wait3A_236 = arith.constant 0 : i32
      %dma_wait3A_237 = tpu.memref_slice %arg9[%dma_wait3A_234, %dma_wait3A_235, %dma_wait3A_236] : memref<2x128x128xf32, #tpu.memory_space<vmem>> -> memref<1x128x128xf32, #tpu.memory_space<vmem>>
      %dma_wait3A_238 = tpu.memref_squeeze %dma_wait3A_237 : memref<1x128x128xf32, #tpu.memory_space<vmem>> -> memref<128x128xf32, #tpu.memory_space<vmem>>
      %dma_wait3A_239 = arith.constant 0 : i32
      %dma_wait3A_240 = tpu.memref_slice %arg7[%dma_wait3A_239] : memref<10240xi32, #tpu.memory_space<vmem>> -> memref<128xi32, #tpu.memory_space<vmem>>
      %dma_wait3A_241 = arith.constant 0 : i32
      %dma_wait3A_242 = arith.constant 0 : i32
      %dma_wait3A_243 = tpu.memref_slice %arg2[%dma_wait3A_241, %dma_wait3A_242] : memref<10000x128xf32, #tpu.memory_space<hbm>> -> memref<10000x128xf32, #tpu.memory_space<hbm>>
      tpu.wait_indirect_dma semaphore(%arg11 : memref<!tpu.dma_semaphore, #tpu.memory_space<semaphore_mem>>) src(%dma_wait3A_243 : memref<10000x128xf32, #tpu.memory_space<hbm>>) dst(%dma_wait3A_238 : memref<128x128xf32, #tpu.memory_space<vmem>>)
      %dma_start3A_244 = arith.constant 0 : i32
      %dma_start3A_245 = arith.constant 2 : i32
      %dma_start3A_246 = arith.constant 0 : i32
      %dma_start3A_247 = arith.constant 0 : i32
      %dma_start3A_248 = tpu.memref_slice %arg9[%dma_start3A_244, %dma_start3A_246, %dma_start3A_247] : memref<2x128x128xf32, #tpu.memory_space<vmem>> -> memref<1x128x128xf32, #tpu.memory_space<vmem>>
      %dma_start3A_249 = tpu.memref_squeeze %dma_start3A_248 : memref<1x128x128xf32, #tpu.memory_space<vmem>> -> memref<128x128xf32, #tpu.memory_space<vmem>>
      %dma_start3A_250 = arith.constant 0 : i32
      %dma_start3A_251 = tpu.memref_slice %arg8[%dma_start3A_245, %dma_start3A_250] : memref<16x128xi32, #tpu.memory_space<vmem>> -> memref<1x128xi32, #tpu.memory_space<vmem>>
      %dma_start3A_252 = tpu.memref_squeeze %dma_start3A_251 : memref<1x128xi32, #tpu.memory_space<vmem>> -> memref<128xi32, #tpu.memory_space<vmem>>
      %dma_start3A_253 = arith.constant 0 : i32
      %dma_start3A_254 = arith.constant 0 : i32
      %dma_start3A_255 = tpu.memref_slice %arg10[%dma_start3A_253, %dma_start3A_254] : memref<10240x128xf32, #tpu.memory_space<vmem_shared>> -> memref<10240x128xf32, #tpu.memory_space<vmem_shared>>
      tpu.enqueue_indirect_dma source(%dma_start3A_249 : memref<128x128xf32, #tpu.memory_space<vmem>>) target(%dma_start3A_255 : memref<10240x128xf32, #tpu.memory_space<vmem_shared>>) offsets(%dma_start3A_252 : memref<128xi32, #tpu.memory_space<vmem>>) semaphore(%arg13 : memref<!tpu.dma_semaphore, #tpu.memory_space<semaphore_mem>>) {add = true}
      %dma_wait3A_256 = arith.constant 0 : i32
      %dma_wait3A_257 = arith.constant 0 : i32
      %dma_wait3A_258 = arith.constant 0 : i32
      %dma_wait3A_259 = arith.constant 0 : i32
      %dma_wait3A_260 = tpu.memref_slice %arg9[%dma_wait3A_256, %dma_wait3A_258, %dma_wait3A_259] : memref<2x128x128xf32, #tpu.memory_space<vmem>> -> memref<1x128x128xf32, #tpu.memory_space<vmem>>
      %dma_wait3A_261 = tpu.memref_squeeze %dma_wait3A_260 : memref<1x128x128xf32, #tpu.memory_space<vmem>> -> memref<128x128xf32, #tpu.memory_space<vmem>>
      %dma_wait3A_262 = arith.constant 0 : i32
      %dma_wait3A_263 = tpu.memref_slice %arg8[%dma_wait3A_257, %dma_wait3A_262] : memref<16x128xi32, #tpu.memory_space<vmem>> -> memref<1x128xi32, #tpu.memory_space<vmem>>
      %dma_wait3A_264 = tpu.memref_squeeze %dma_wait3A_263 : memref<1x128xi32, #tpu.memory_space<vmem>> -> memref<128xi32, #tpu.memory_space<vmem>>
      %dma_wait3A_265 = arith.constant 0 : i32
      %dma_wait3A_266 = arith.constant 0 : i32
      %dma_wait3A_267 = tpu.memref_slice %arg10[%dma_wait3A_265, %dma_wait3A_266] : memref<10240x128xf32, #tpu.memory_space<vmem_shared>> -> memref<10240x128xf32, #tpu.memory_space<vmem_shared>>
      tpu.wait_indirect_dma semaphore(%arg13 : memref<!tpu.dma_semaphore, #tpu.memory_space<semaphore_mem>>) src(%dma_wait3A_261 : memref<128x128xf32, #tpu.memory_space<vmem>>) dst(%dma_wait3A_267 : memref<10240x128xf32, #tpu.memory_space<vmem_shared>>)
      %mul3A_268 = arith.constant 8 : i32
      %mul3A_269 = arith.muli %mul3A_268, %add3A_99 : i32
      %add3A_270 = arith.constant 3 : i32
      %add3A_271 = arith.addi %mul3A_269, %add3A_270 : i32
      %mul3A_272 = arith.constant 128 : i32
      %mul3A_273 = arith.muli %add3A_271, %mul3A_272 : i32
      %dma_start3A_274 = arith.constant 0 : i32
      %dma_start3A_275 = arith.constant 0 : i32
      %dma_start3A_276 = arith.constant 0 : i32
      %dma_start3A_277 = tpu.memref_slice %arg9[%dma_start3A_274, %dma_start3A_275, %dma_start3A_276] : memref<2x128x128xf32, #tpu.memory_space<vmem>> -> memref<1x128x128xf32, #tpu.memory_space<vmem>>
      %dma_start3A_278 = tpu.memref_squeeze %dma_start3A_277 : memref<1x128x128xf32, #tpu.memory_space<vmem>> -> memref<128x128xf32, #tpu.memory_space<vmem>>
      %dma_start3A_279 = tpu.memref_slice %arg7[%mul3A_273] : memref<10240xi32, #tpu.memory_space<vmem>> -> memref<128xi32, #tpu.memory_space<vmem>>
      %dma_start3A_280 = arith.constant 0 : i32
      %dma_start3A_281 = arith.constant 0 : i32
      %dma_start3A_282 = tpu.memref_slice %arg2[%dma_start3A_280, %dma_start3A_281] : memref<10000x128xf32, #tpu.memory_space<hbm>> -> memref<10000x128xf32, #tpu.memory_space<hbm>>
      tpu.enqueue_indirect_dma source(%dma_start3A_282 : memref<10000x128xf32, #tpu.memory_space<hbm>>) target(%dma_start3A_278 : memref<128x128xf32, #tpu.memory_space<vmem>>) offsets(%dma_start3A_279 : memref<128xi32, #tpu.memory_space<vmem>>) semaphore(%arg11 : memref<!tpu.dma_semaphore, #tpu.memory_space<semaphore_mem>>)
      %dma_wait3A_283 = arith.constant 0 : i32
      %dma_wait3A_284 = arith.constant 0 : i32
      %dma_wait3A_285 = arith.constant 0 : i32
      %dma_wait3A_286 = tpu.memref_slice %arg9[%dma_wait3A_283, %dma_wait3A_284, %dma_wait3A_285] : memref<2x128x128xf32, #tpu.memory_space<vmem>> -> memref<1x128x128xf32, #tpu.memory_space<vmem>>
      %dma_wait3A_287 = tpu.memref_squeeze %dma_wait3A_286 : memref<1x128x128xf32, #tpu.memory_space<vmem>> -> memref<128x128xf32, #tpu.memory_space<vmem>>
      %dma_wait3A_288 = arith.constant 0 : i32
      %dma_wait3A_289 = tpu.memref_slice %arg7[%dma_wait3A_288] : memref<10240xi32, #tpu.memory_space<vmem>> -> memref<128xi32, #tpu.memory_space<vmem>>
      %dma_wait3A_290 = arith.constant 0 : i32
      %dma_wait3A_291 = arith.constant 0 : i32
      %dma_wait3A_292 = tpu.memref_slice %arg2[%dma_wait3A_290, %dma_wait3A_291] : memref<10000x128xf32, #tpu.memory_space<hbm>> -> memref<10000x128xf32, #tpu.memory_space<hbm>>
      tpu.wait_indirect_dma semaphore(%arg11 : memref<!tpu.dma_semaphore, #tpu.memory_space<semaphore_mem>>) src(%dma_wait3A_292 : memref<10000x128xf32, #tpu.memory_space<hbm>>) dst(%dma_wait3A_287 : memref<128x128xf32, #tpu.memory_space<vmem>>)
      %dma_start3A_293 = arith.constant 0 : i32
      %dma_start3A_294 = arith.constant 3 : i32
      %dma_start3A_295 = arith.constant 0 : i32
      %dma_start3A_296 = arith.constant 0 : i32
      %dma_start3A_297 = tpu.memref_slice %arg9[%dma_start3A_293, %dma_start3A_295, %dma_start3A_296] : memref<2x128x128xf32, #tpu.memory_space<vmem>> -> memref<1x128x128xf32, #tpu.memory_space<vmem>>
      %dma_start3A_298 = tpu.memref_squeeze %dma_start3A_297 : memref<1x128x128xf32, #tpu.memory_space<vmem>> -> memref<128x128xf32, #tpu.memory_space<vmem>>
      %dma_start3A_299 = arith.constant 0 : i32
      %dma_start3A_300 = tpu.memref_slice %arg8[%dma_start3A_294, %dma_start3A_299] : memref<16x128xi32, #tpu.memory_space<vmem>> -> memref<1x128xi32, #tpu.memory_space<vmem>>
      %dma_start3A_301 = tpu.memref_squeeze %dma_start3A_300 : memref<1x128xi32, #tpu.memory_space<vmem>> -> memref<128xi32, #tpu.memory_space<vmem>>
      %dma_start3A_302 = arith.constant 0 : i32
      %dma_start3A_303 = arith.constant 0 : i32
      %dma_start3A_304 = tpu.memref_slice %arg10[%dma_start3A_302, %dma_start3A_303] : memref<10240x128xf32, #tpu.memory_space<vmem_shared>> -> memref<10240x128xf32, #tpu.memory_space<vmem_shared>>
      tpu.enqueue_indirect_dma source(%dma_start3A_298 : memref<128x128xf32, #tpu.memory_space<vmem>>) target(%dma_start3A_304 : memref<10240x128xf32, #tpu.memory_space<vmem_shared>>) offsets(%dma_start3A_301 : memref<128xi32, #tpu.memory_space<vmem>>) semaphore(%arg13 : memref<!tpu.dma_semaphore, #tpu.memory_space<semaphore_mem>>) {add = true}
      %dma_wait3A_305 = arith.constant 0 : i32
      %dma_wait3A_306 = arith.constant 0 : i32
      %dma_wait3A_307 = arith.constant 0 : i32
      %dma_wait3A_308 = arith.constant 0 : i32
      %dma_wait3A_309 = tpu.memref_slice %arg9[%dma_wait3A_305, %dma_wait3A_307, %dma_wait3A_308] : memref<2x128x128xf32, #tpu.memory_space<vmem>> -> memref<1x128x128xf32, #tpu.memory_space<vmem>>
      %dma_wait3A_310 = tpu.memref_squeeze %dma_wait3A_309 : memref<1x128x128xf32, #tpu.memory_space<vmem>> -> memref<128x128xf32, #tpu.memory_space<vmem>>
      %dma_wait3A_311 = arith.constant 0 : i32
      %dma_wait3A_312 = tpu.memref_slice %arg8[%dma_wait3A_306, %dma_wait3A_311] : memref<16x128xi32, #tpu.memory_space<vmem>> -> memref<1x128xi32, #tpu.memory_space<vmem>>
      %dma_wait3A_313 = tpu.memref_squeeze %dma_wait3A_312 : memref<1x128xi32, #tpu.memory_space<vmem>> -> memref<128xi32, #tpu.memory_space<vmem>>
      %dma_wait3A_314 = arith.constant 0 : i32
      %dma_wait3A_315 = arith.constant 0 : i32
      %dma_wait3A_316 = tpu.memref_slice %arg10[%dma_wait3A_314, %dma_wait3A_315] : memref<10240x128xf32, #tpu.memory_space<vmem_shared>> -> memref<10240x128xf32, #tpu.memory_space<vmem_shared>>
      tpu.wait_indirect_dma semaphore(%arg13 : memref<!tpu.dma_semaphore, #tpu.memory_space<semaphore_mem>>) src(%dma_wait3A_310 : memref<128x128xf32, #tpu.memory_space<vmem>>) dst(%dma_wait3A_316 : memref<10240x128xf32, #tpu.memory_space<vmem_shared>>)
      %mul3A_317 = arith.constant 8 : i32
      %mul3A_318 = arith.muli %mul3A_317, %add3A_99 : i32
      %add3A_319 = arith.constant 4 : i32
      %add3A_320 = arith.addi %mul3A_318, %add3A_319 : i32
      %mul3A_321 = arith.constant 128 : i32
      %mul3A_322 = arith.muli %add3A_320, %mul3A_321 : i32
      %dma_start3A_323 = arith.constant 0 : i32
      %dma_start3A_324 = arith.constant 0 : i32
      %dma_start3A_325 = arith.constant 0 : i32
      %dma_start3A_326 = tpu.memref_slice %arg9[%dma_start3A_323, %dma_start3A_324, %dma_start3A_325] : memref<2x128x128xf32, #tpu.memory_space<vmem>> -> memref<1x128x128xf32, #tpu.memory_space<vmem>>
      %dma_start3A_327 = tpu.memref_squeeze %dma_start3A_326 : memref<1x128x128xf32, #tpu.memory_space<vmem>> -> memref<128x128xf32, #tpu.memory_space<vmem>>
      %dma_start3A_328 = tpu.memref_slice %arg7[%mul3A_322] : memref<10240xi32, #tpu.memory_space<vmem>> -> memref<128xi32, #tpu.memory_space<vmem>>
      %dma_start3A_329 = arith.constant 0 : i32
      %dma_start3A_330 = arith.constant 0 : i32
      %dma_start3A_331 = tpu.memref_slice %arg2[%dma_start3A_329, %dma_start3A_330] : memref<10000x128xf32, #tpu.memory_space<hbm>> -> memref<10000x128xf32, #tpu.memory_space<hbm>>
      tpu.enqueue_indirect_dma source(%dma_start3A_331 : memref<10000x128xf32, #tpu.memory_space<hbm>>) target(%dma_start3A_327 : memref<128x128xf32, #tpu.memory_space<vmem>>) offsets(%dma_start3A_328 : memref<128xi32, #tpu.memory_space<vmem>>) semaphore(%arg11 : memref<!tpu.dma_semaphore, #tpu.memory_space<semaphore_mem>>)
      %dma_wait3A_332 = arith.constant 0 : i32
      %dma_wait3A_333 = arith.constant 0 : i32
      %dma_wait3A_334 = arith.constant 0 : i32
      %dma_wait3A_335 = tpu.memref_slice %arg9[%dma_wait3A_332, %dma_wait3A_333, %dma_wait3A_334] : memref<2x128x128xf32, #tpu.memory_space<vmem>> -> memref<1x128x128xf32, #tpu.memory_space<vmem>>
      %dma_wait3A_336 = tpu.memref_squeeze %dma_wait3A_335 : memref<1x128x128xf32, #tpu.memory_space<vmem>> -> memref<128x128xf32, #tpu.memory_space<vmem>>
      %dma_wait3A_337 = arith.constant 0 : i32
      %dma_wait3A_338 = tpu.memref_slice %arg7[%dma_wait3A_337] : memref<10240xi32, #tpu.memory_space<vmem>> -> memref<128xi32, #tpu.memory_space<vmem>>
      %dma_wait3A_339 = arith.constant 0 : i32
      %dma_wait3A_340 = arith.constant 0 : i32
      %dma_wait3A_341 = tpu.memref_slice %arg2[%dma_wait3A_339, %dma_wait3A_340] : memref<10000x128xf32, #tpu.memory_space<hbm>> -> memref<10000x128xf32, #tpu.memory_space<hbm>>
      tpu.wait_indirect_dma semaphore(%arg11 : memref<!tpu.dma_semaphore, #tpu.memory_space<semaphore_mem>>) src(%dma_wait3A_341 : memref<10000x128xf32, #tpu.memory_space<hbm>>) dst(%dma_wait3A_336 : memref<128x128xf32, #tpu.memory_space<vmem>>)
      %dma_start3A_342 = arith.constant 0 : i32
      %dma_start3A_343 = arith.constant 4 : i32
      %dma_start3A_344 = arith.constant 0 : i32
      %dma_start3A_345 = arith.constant 0 : i32
      %dma_start3A_346 = tpu.memref_slice %arg9[%dma_start3A_342, %dma_start3A_344, %dma_start3A_345] : memref<2x128x128xf32, #tpu.memory_space<vmem>> -> memref<1x128x128xf32, #tpu.memory_space<vmem>>
      %dma_start3A_347 = tpu.memref_squeeze %dma_start3A_346 : memref<1x128x128xf32, #tpu.memory_space<vmem>> -> memref<128x128xf32, #tpu.memory_space<vmem>>
      %dma_start3A_348 = arith.constant 0 : i32
      %dma_start3A_349 = tpu.memref_slice %arg8[%dma_start3A_343, %dma_start3A_348] : memref<16x128xi32, #tpu.memory_space<vmem>> -> memref<1x128xi32, #tpu.memory_space<vmem>>
      %dma_start3A_350 = tpu.memref_squeeze %dma_start3A_349 : memref<1x128xi32, #tpu.memory_space<vmem>> -> memref<128xi32, #tpu.memory_space<vmem>>
      %dma_start3A_351 = arith.constant 0 : i32
      %dma_start3A_352 = arith.constant 0 : i32
      %dma_start3A_353 = tpu.memref_slice %arg10[%dma_start3A_351, %dma_start3A_352] : memref<10240x128xf32, #tpu.memory_space<vmem_shared>> -> memref<10240x128xf32, #tpu.memory_space<vmem_shared>>
      tpu.enqueue_indirect_dma source(%dma_start3A_347 : memref<128x128xf32, #tpu.memory_space<vmem>>) target(%dma_start3A_353 : memref<10240x128xf32, #tpu.memory_space<vmem_shared>>) offsets(%dma_start3A_350 : memref<128xi32, #tpu.memory_space<vmem>>) semaphore(%arg13 : memref<!tpu.dma_semaphore, #tpu.memory_space<semaphore_mem>>) {add = true}
      %dma_wait3A_354 = arith.constant 0 : i32
      %dma_wait3A_355 = arith.constant 0 : i32
      %dma_wait3A_356 = arith.constant 0 : i32
      %dma_wait3A_357 = arith.constant 0 : i32
      %dma_wait3A_358 = tpu.memref_slice %arg9[%dma_wait3A_354, %dma_wait3A_356, %dma_wait3A_357] : memref<2x128x128xf32, #tpu.memory_space<vmem>> -> memref<1x128x128xf32, #tpu.memory_space<vmem>>
      %dma_wait3A_359 = tpu.memref_squeeze %dma_wait3A_358 : memref<1x128x128xf32, #tpu.memory_space<vmem>> -> memref<128x128xf32, #tpu.memory_space<vmem>>
      %dma_wait3A_360 = arith.constant 0 : i32
      %dma_wait3A_361 = tpu.memref_slice %arg8[%dma_wait3A_355, %dma_wait3A_360] : memref<16x128xi32, #tpu.memory_space<vmem>> -> memref<1x128xi32, #tpu.memory_space<vmem>>
      %dma_wait3A_362 = tpu.memref_squeeze %dma_wait3A_361 : memref<1x128xi32, #tpu.memory_space<vmem>> -> memref<128xi32, #tpu.memory_space<vmem>>
      %dma_wait3A_363 = arith.constant 0 : i32
      %dma_wait3A_364 = arith.constant 0 : i32
      %dma_wait3A_365 = tpu.memref_slice %arg10[%dma_wait3A_363, %dma_wait3A_364] : memref<10240x128xf32, #tpu.memory_space<vmem_shared>> -> memref<10240x128xf32, #tpu.memory_space<vmem_shared>>
      tpu.wait_indirect_dma semaphore(%arg13 : memref<!tpu.dma_semaphore, #tpu.memory_space<semaphore_mem>>) src(%dma_wait3A_359 : memref<128x128xf32, #tpu.memory_space<vmem>>) dst(%dma_wait3A_365 : memref<10240x128xf32, #tpu.memory_space<vmem_shared>>)
      %mul3A_366 = arith.constant 8 : i32
      %mul3A_367 = arith.muli %mul3A_366, %add3A_99 : i32
      %add3A_368 = arith.constant 5 : i32
      %add3A_369 = arith.addi %mul3A_367, %add3A_368 : i32
      %mul3A_370 = arith.constant 128 : i32
      %mul3A_371 = arith.muli %add3A_369, %mul3A_370 : i32
      %dma_start3A_372 = arith.constant 0 : i32
      %dma_start3A_373 = arith.constant 0 : i32
      %dma_start3A_374 = arith.constant 0 : i32
      %dma_start3A_375 = tpu.memref_slice %arg9[%dma_start3A_372, %dma_start3A_373, %dma_start3A_374] : memref<2x128x128xf32, #tpu.memory_space<vmem>> -> memref<1x128x128xf32, #tpu.memory_space<vmem>>
      %dma_start3A_376 = tpu.memref_squeeze %dma_start3A_375 : memref<1x128x128xf32, #tpu.memory_space<vmem>> -> memref<128x128xf32, #tpu.memory_space<vmem>>
      %dma_start3A_377 = tpu.memref_slice %arg7[%mul3A_371] : memref<10240xi32, #tpu.memory_space<vmem>> -> memref<128xi32, #tpu.memory_space<vmem>>
      %dma_start3A_378 = arith.constant 0 : i32
      %dma_start3A_379 = arith.constant 0 : i32
      %dma_start3A_380 = tpu.memref_slice %arg2[%dma_start3A_378, %dma_start3A_379] : memref<10000x128xf32, #tpu.memory_space<hbm>> -> memref<10000x128xf32, #tpu.memory_space<hbm>>
      tpu.enqueue_indirect_dma source(%dma_start3A_380 : memref<10000x128xf32, #tpu.memory_space<hbm>>) target(%dma_start3A_376 : memref<128x128xf32, #tpu.memory_space<vmem>>) offsets(%dma_start3A_377 : memref<128xi32, #tpu.memory_space<vmem>>) semaphore(%arg11 : memref<!tpu.dma_semaphore, #tpu.memory_space<semaphore_mem>>)
      %dma_wait3A_381 = arith.constant 0 : i32
      %dma_wait3A_382 = arith.constant 0 : i32
      %dma_wait3A_383 = arith.constant 0 : i32
      %dma_wait3A_384 = tpu.memref_slice %arg9[%dma_wait3A_381, %dma_wait3A_382, %dma_wait3A_383] : memref<2x128x128xf32, #tpu.memory_space<vmem>> -> memref<1x128x128xf32, #tpu.memory_space<vmem>>
      %dma_wait3A_385 = tpu.memref_squeeze %dma_wait3A_384 : memref<1x128x128xf32, #tpu.memory_space<vmem>> -> memref<128x128xf32, #tpu.memory_space<vmem>>
      %dma_wait3A_386 = arith.constant 0 : i32
      %dma_wait3A_387 = tpu.memref_slice %arg7[%dma_wait3A_386] : memref<10240xi32, #tpu.memory_space<vmem>> -> memref<128xi32, #tpu.memory_space<vmem>>
      %dma_wait3A_388 = arith.constant 0 : i32
      %dma_wait3A_389 = arith.constant 0 : i32
      %dma_wait3A_390 = tpu.memref_slice %arg2[%dma_wait3A_388, %dma_wait3A_389] : memref<10000x128xf32, #tpu.memory_space<hbm>> -> memref<10000x128xf32, #tpu.memory_space<hbm>>
      tpu.wait_indirect_dma semaphore(%arg11 : memref<!tpu.dma_semaphore, #tpu.memory_space<semaphore_mem>>) src(%dma_wait3A_390 : memref<10000x128xf32, #tpu.memory_space<hbm>>) dst(%dma_wait3A_385 : memref<128x128xf32, #tpu.memory_space<vmem>>)
      %dma_start3A_391 = arith.constant 0 : i32
      %dma_start3A_392 = arith.constant 5 : i32
      %dma_start3A_393 = arith.constant 0 : i32
      %dma_start3A_394 = arith.constant 0 : i32
      %dma_start3A_395 = tpu.memref_slice %arg9[%dma_start3A_391, %dma_start3A_393, %dma_start3A_394] : memref<2x128x128xf32, #tpu.memory_space<vmem>> -> memref<1x128x128xf32, #tpu.memory_space<vmem>>
      %dma_start3A_396 = tpu.memref_squeeze %dma_start3A_395 : memref<1x128x128xf32, #tpu.memory_space<vmem>> -> memref<128x128xf32, #tpu.memory_space<vmem>>
      %dma_start3A_397 = arith.constant 0 : i32
      %dma_start3A_398 = tpu.memref_slice %arg8[%dma_start3A_392, %dma_start3A_397] : memref<16x128xi32, #tpu.memory_space<vmem>> -> memref<1x128xi32, #tpu.memory_space<vmem>>
      %dma_start3A_399 = tpu.memref_squeeze %dma_start3A_398 : memref<1x128xi32, #tpu.memory_space<vmem>> -> memref<128xi32, #tpu.memory_space<vmem>>
      %dma_start3A_400 = arith.constant 0 : i32
      %dma_start3A_401 = arith.constant 0 : i32
      %dma_start3A_402 = tpu.memref_slice %arg10[%dma_start3A_400, %dma_start3A_401] : memref<10240x128xf32, #tpu.memory_space<vmem_shared>> -> memref<10240x128xf32, #tpu.memory_space<vmem_shared>>
      tpu.enqueue_indirect_dma source(%dma_start3A_396 : memref<128x128xf32, #tpu.memory_space<vmem>>) target(%dma_start3A_402 : memref<10240x128xf32, #tpu.memory_space<vmem_shared>>) offsets(%dma_start3A_399 : memref<128xi32, #tpu.memory_space<vmem>>) semaphore(%arg13 : memref<!tpu.dma_semaphore, #tpu.memory_space<semaphore_mem>>) {add = true}
      %dma_wait3A_403 = arith.constant 0 : i32
      %dma_wait3A_404 = arith.constant 0 : i32
      %dma_wait3A_405 = arith.constant 0 : i32
      %dma_wait3A_406 = arith.constant 0 : i32
      %dma_wait3A_407 = tpu.memref_slice %arg9[%dma_wait3A_403, %dma_wait3A_405, %dma_wait3A_406] : memref<2x128x128xf32, #tpu.memory_space<vmem>> -> memref<1x128x128xf32, #tpu.memory_space<vmem>>
      %dma_wait3A_408 = tpu.memref_squeeze %dma_wait3A_407 : memref<1x128x128xf32, #tpu.memory_space<vmem>> -> memref<128x128xf32, #tpu.memory_space<vmem>>
      %dma_wait3A_409 = arith.constant 0 : i32
      %dma_wait3A_410 = tpu.memref_slice %arg8[%dma_wait3A_404, %dma_wait3A_409] : memref<16x128xi32, #tpu.memory_space<vmem>> -> memref<1x128xi32, #tpu.memory_space<vmem>>
      %dma_wait3A_411 = tpu.memref_squeeze %dma_wait3A_410 : memref<1x128xi32, #tpu.memory_space<vmem>> -> memref<128xi32, #tpu.memory_space<vmem>>
      %dma_wait3A_412 = arith.constant 0 : i32
      %dma_wait3A_413 = arith.constant 0 : i32
      %dma_wait3A_414 = tpu.memref_slice %arg10[%dma_wait3A_412, %dma_wait3A_413] : memref<10240x128xf32, #tpu.memory_space<vmem_shared>> -> memref<10240x128xf32, #tpu.memory_space<vmem_shared>>
      tpu.wait_indirect_dma semaphore(%arg13 : memref<!tpu.dma_semaphore, #tpu.memory_space<semaphore_mem>>) src(%dma_wait3A_408 : memref<128x128xf32, #tpu.memory_space<vmem>>) dst(%dma_wait3A_414 : memref<10240x128xf32, #tpu.memory_space<vmem_shared>>)
      %mul3A_415 = arith.constant 8 : i32
      %mul3A_416 = arith.muli %mul3A_415, %add3A_99 : i32
      %add3A_417 = arith.constant 6 : i32
      %add3A_418 = arith.addi %mul3A_416, %add3A_417 : i32
      %mul3A_419 = arith.constant 128 : i32
      %mul3A_420 = arith.muli %add3A_418, %mul3A_419 : i32
      %dma_start3A_421 = arith.constant 0 : i32
      %dma_start3A_422 = arith.constant 0 : i32
      %dma_start3A_423 = arith.constant 0 : i32
      %dma_start3A_424 = tpu.memref_slice %arg9[%dma_start3A_421, %dma_start3A_422, %dma_start3A_423] : memref<2x128x128xf32, #tpu.memory_space<vmem>> -> memref<1x128x128xf32, #tpu.memory_space<vmem>>
      %dma_start3A_425 = tpu.memref_squeeze %dma_start3A_424 : memref<1x128x128xf32, #tpu.memory_space<vmem>> -> memref<128x128xf32, #tpu.memory_space<vmem>>
      %dma_start3A_426 = tpu.memref_slice %arg7[%mul3A_420] : memref<10240xi32, #tpu.memory_space<vmem>> -> memref<128xi32, #tpu.memory_space<vmem>>
      %dma_start3A_427 = arith.constant 0 : i32
      %dma_start3A_428 = arith.constant 0 : i32
      %dma_start3A_429 = tpu.memref_slice %arg2[%dma_start3A_427, %dma_start3A_428] : memref<10000x128xf32, #tpu.memory_space<hbm>> -> memref<10000x128xf32, #tpu.memory_space<hbm>>
      tpu.enqueue_indirect_dma source(%dma_start3A_429 : memref<10000x128xf32, #tpu.memory_space<hbm>>) target(%dma_start3A_425 : memref<128x128xf32, #tpu.memory_space<vmem>>) offsets(%dma_start3A_426 : memref<128xi32, #tpu.memory_space<vmem>>) semaphore(%arg11 : memref<!tpu.dma_semaphore, #tpu.memory_space<semaphore_mem>>)
      %dma_wait3A_430 = arith.constant 0 : i32
      %dma_wait3A_431 = arith.constant 0 : i32
      %dma_wait3A_432 = arith.constant 0 : i32
      %dma_wait3A_433 = tpu.memref_slice %arg9[%dma_wait3A_430, %dma_wait3A_431, %dma_wait3A_432] : memref<2x128x128xf32, #tpu.memory_space<vmem>> -> memref<1x128x128xf32, #tpu.memory_space<vmem>>
      %dma_wait3A_434 = tpu.memref_squeeze %dma_wait3A_433 : memref<1x128x128xf32, #tpu.memory_space<vmem>> -> memref<128x128xf32, #tpu.memory_space<vmem>>
      %dma_wait3A_435 = arith.constant 0 : i32
      %dma_wait3A_436 = tpu.memref_slice %arg7[%dma_wait3A_435] : memref<10240xi32, #tpu.memory_space<vmem>> -> memref<128xi32, #tpu.memory_space<vmem>>
      %dma_wait3A_437 = arith.constant 0 : i32
      %dma_wait3A_438 = arith.constant 0 : i32
      %dma_wait3A_439 = tpu.memref_slice %arg2[%dma_wait3A_437, %dma_wait3A_438] : memref<10000x128xf32, #tpu.memory_space<hbm>> -> memref<10000x128xf32, #tpu.memory_space<hbm>>
      tpu.wait_indirect_dma semaphore(%arg11 : memref<!tpu.dma_semaphore, #tpu.memory_space<semaphore_mem>>) src(%dma_wait3A_439 : memref<10000x128xf32, #tpu.memory_space<hbm>>) dst(%dma_wait3A_434 : memref<128x128xf32, #tpu.memory_space<vmem>>)
      %dma_start3A_440 = arith.constant 0 : i32
      %dma_start3A_441 = arith.constant 6 : i32
      %dma_start3A_442 = arith.constant 0 : i32
      %dma_start3A_443 = arith.constant 0 : i32
      %dma_start3A_444 = tpu.memref_slice %arg9[%dma_start3A_440, %dma_start3A_442, %dma_start3A_443] : memref<2x128x128xf32, #tpu.memory_space<vmem>> -> memref<1x128x128xf32, #tpu.memory_space<vmem>>
      %dma_start3A_445 = tpu.memref_squeeze %dma_start3A_444 : memref<1x128x128xf32, #tpu.memory_space<vmem>> -> memref<128x128xf32, #tpu.memory_space<vmem>>
      %dma_start3A_446 = arith.constant 0 : i32
      %dma_start3A_447 = tpu.memref_slice %arg8[%dma_start3A_441, %dma_start3A_446] : memref<16x128xi32, #tpu.memory_space<vmem>> -> memref<1x128xi32, #tpu.memory_space<vmem>>
      %dma_start3A_448 = tpu.memref_squeeze %dma_start3A_447 : memref<1x128xi32, #tpu.memory_space<vmem>> -> memref<128xi32, #tpu.memory_space<vmem>>
      %dma_start3A_449 = arith.constant 0 : i32
      %dma_start3A_450 = arith.constant 0 : i32
      %dma_start3A_451 = tpu.memref_slice %arg10[%dma_start3A_449, %dma_start3A_450] : memref<10240x128xf32, #tpu.memory_space<vmem_shared>> -> memref<10240x128xf32, #tpu.memory_space<vmem_shared>>
      tpu.enqueue_indirect_dma source(%dma_start3A_445 : memref<128x128xf32, #tpu.memory_space<vmem>>) target(%dma_start3A_451 : memref<10240x128xf32, #tpu.memory_space<vmem_shared>>) offsets(%dma_start3A_448 : memref<128xi32, #tpu.memory_space<vmem>>) semaphore(%arg13 : memref<!tpu.dma_semaphore, #tpu.memory_space<semaphore_mem>>) {add = true}
      %dma_wait3A_452 = arith.constant 0 : i32
      %dma_wait3A_453 = arith.constant 0 : i32
      %dma_wait3A_454 = arith.constant 0 : i32
      %dma_wait3A_455 = arith.constant 0 : i32
      %dma_wait3A_456 = tpu.memref_slice %arg9[%dma_wait3A_452, %dma_wait3A_454, %dma_wait3A_455] : memref<2x128x128xf32, #tpu.memory_space<vmem>> -> memref<1x128x128xf32, #tpu.memory_space<vmem>>
      %dma_wait3A_457 = tpu.memref_squeeze %dma_wait3A_456 : memref<1x128x128xf32, #tpu.memory_space<vmem>> -> memref<128x128xf32, #tpu.memory_space<vmem>>
      %dma_wait3A_458 = arith.constant 0 : i32
      %dma_wait3A_459 = tpu.memref_slice %arg8[%dma_wait3A_453, %dma_wait3A_458] : memref<16x128xi32, #tpu.memory_space<vmem>> -> memref<1x128xi32, #tpu.memory_space<vmem>>
      %dma_wait3A_460 = tpu.memref_squeeze %dma_wait3A_459 : memref<1x128xi32, #tpu.memory_space<vmem>> -> memref<128xi32, #tpu.memory_space<vmem>>
      %dma_wait3A_461 = arith.constant 0 : i32
      %dma_wait3A_462 = arith.constant 0 : i32
      %dma_wait3A_463 = tpu.memref_slice %arg10[%dma_wait3A_461, %dma_wait3A_462] : memref<10240x128xf32, #tpu.memory_space<vmem_shared>> -> memref<10240x128xf32, #tpu.memory_space<vmem_shared>>
      tpu.wait_indirect_dma semaphore(%arg13 : memref<!tpu.dma_semaphore, #tpu.memory_space<semaphore_mem>>) src(%dma_wait3A_457 : memref<128x128xf32, #tpu.memory_space<vmem>>) dst(%dma_wait3A_463 : memref<10240x128xf32, #tpu.memory_space<vmem_shared>>)
      %mul3A_464 = arith.constant 8 : i32
      %mul3A_465 = arith.muli %mul3A_464, %add3A_99 : i32
      %add3A_466 = arith.constant 7 : i32
      %add3A_467 = arith.addi %mul3A_465, %add3A_466 : i32
      %mul3A_468 = arith.constant 128 : i32
      %mul3A_469 = arith.muli %add3A_467, %mul3A_468 : i32
      %dma_start3A_470 = arith.constant 0 : i32
      %dma_start3A_471 = arith.constant 0 : i32
      %dma_start3A_472 = arith.constant 0 : i32
      %dma_start3A_473 = tpu.memref_slice %arg9[%dma_start3A_470, %dma_start3A_471, %dma_start3A_472] : memref<2x128x128xf32, #tpu.memory_space<vmem>> -> memref<1x128x128xf32, #tpu.memory_space<vmem>>
      %dma_start3A_474 = tpu.memref_squeeze %dma_start3A_473 : memref<1x128x128xf32, #tpu.memory_space<vmem>> -> memref<128x128xf32, #tpu.memory_space<vmem>>
      %dma_start3A_475 = tpu.memref_slice %arg7[%mul3A_469] : memref<10240xi32, #tpu.memory_space<vmem>> -> memref<128xi32, #tpu.memory_space<vmem>>
      %dma_start3A_476 = arith.constant 0 : i32
      %dma_start3A_477 = arith.constant 0 : i32
      %dma_start3A_478 = tpu.memref_slice %arg2[%dma_start3A_476, %dma_start3A_477] : memref<10000x128xf32, #tpu.memory_space<hbm>> -> memref<10000x128xf32, #tpu.memory_space<hbm>>
      tpu.enqueue_indirect_dma source(%dma_start3A_478 : memref<10000x128xf32, #tpu.memory_space<hbm>>) target(%dma_start3A_474 : memref<128x128xf32, #tpu.memory_space<vmem>>) offsets(%dma_start3A_475 : memref<128xi32, #tpu.memory_space<vmem>>) semaphore(%arg11 : memref<!tpu.dma_semaphore, #tpu.memory_space<semaphore_mem>>)
      %dma_wait3A_479 = arith.constant 0 : i32
      %dma_wait3A_480 = arith.constant 0 : i32
      %dma_wait3A_481 = arith.constant 0 : i32
      %dma_wait3A_482 = tpu.memref_slice %arg9[%dma_wait3A_479, %dma_wait3A_480, %dma_wait3A_481] : memref<2x128x128xf32, #tpu.memory_space<vmem>> -> memref<1x128x128xf32, #tpu.memory_space<vmem>>
      %dma_wait3A_483 = tpu.memref_squeeze %dma_wait3A_482 : memref<1x128x128xf32, #tpu.memory_space<vmem>> -> memref<128x128xf32, #tpu.memory_space<vmem>>
      %dma_wait3A_484 = arith.constant 0 : i32
      %dma_wait3A_485 = tpu.memref_slice %arg7[%dma_wait3A_484] : memref<10240xi32, #tpu.memory_space<vmem>> -> memref<128xi32, #tpu.memory_space<vmem>>
      %dma_wait3A_486 = arith.constant 0 : i32
      %dma_wait3A_487 = arith.constant 0 : i32
      %dma_wait3A_488 = tpu.memref_slice %arg2[%dma_wait3A_486, %dma_wait3A_487] : memref<10000x128xf32, #tpu.memory_space<hbm>> -> memref<10000x128xf32, #tpu.memory_space<hbm>>
      tpu.wait_indirect_dma semaphore(%arg11 : memref<!tpu.dma_semaphore, #tpu.memory_space<semaphore_mem>>) src(%dma_wait3A_488 : memref<10000x128xf32, #tpu.memory_space<hbm>>) dst(%dma_wait3A_483 : memref<128x128xf32, #tpu.memory_space<vmem>>)
      %dma_start3A_489 = arith.constant 0 : i32
      %dma_start3A_490 = arith.constant 7 : i32
      %dma_start3A_491 = arith.constant 0 : i32
      %dma_start3A_492 = arith.constant 0 : i32
      %dma_start3A_493 = tpu.memref_slice %arg9[%dma_start3A_489, %dma_start3A_491, %dma_start3A_492] : memref<2x128x128xf32, #tpu.memory_space<vmem>> -> memref<1x128x128xf32, #tpu.memory_space<vmem>>
      %dma_start3A_494 = tpu.memref_squeeze %dma_start3A_493 : memref<1x128x128xf32, #tpu.memory_space<vmem>> -> memref<128x128xf32, #tpu.memory_space<vmem>>
      %dma_start3A_495 = arith.constant 0 : i32
      %dma_start3A_496 = tpu.memref_slice %arg8[%dma_start3A_490, %dma_start3A_495] : memref<16x128xi32, #tpu.memory_space<vmem>> -> memref<1x128xi32, #tpu.memory_space<vmem>>
      %dma_start3A_497 = tpu.memref_squeeze %dma_start3A_496 : memref<1x128xi32, #tpu.memory_space<vmem>> -> memref<128xi32, #tpu.memory_space<vmem>>
      %dma_start3A_498 = arith.constant 0 : i32
      %dma_start3A_499 = arith.constant 0 : i32
      %dma_start3A_500 = tpu.memref_slice %arg10[%dma_start3A_498, %dma_start3A_499] : memref<10240x128xf32, #tpu.memory_space<vmem_shared>> -> memref<10240x128xf32, #tpu.memory_space<vmem_shared>>
      tpu.enqueue_indirect_dma source(%dma_start3A_494 : memref<128x128xf32, #tpu.memory_space<vmem>>) target(%dma_start3A_500 : memref<10240x128xf32, #tpu.memory_space<vmem_shared>>) offsets(%dma_start3A_497 : memref<128xi32, #tpu.memory_space<vmem>>) semaphore(%arg13 : memref<!tpu.dma_semaphore, #tpu.memory_space<semaphore_mem>>) {add = true}
      %dma_wait3A_501 = arith.constant 0 : i32
      %dma_wait3A_502 = arith.constant 0 : i32
      %dma_wait3A_503 = arith.constant 0 : i32
      %dma_wait3A_504 = arith.constant 0 : i32
      %dma_wait3A_505 = tpu.memref_slice %arg9[%dma_wait3A_501, %dma_wait3A_503, %dma_wait3A_504] : memref<2x128x128xf32, #tpu.memory_space<vmem>> -> memref<1x128x128xf32, #tpu.memory_space<vmem>>
      %dma_wait3A_506 = tpu.memref_squeeze %dma_wait3A_505 : memref<1x128x128xf32, #tpu.memory_space<vmem>> -> memref<128x128xf32, #tpu.memory_space<vmem>>
      %dma_wait3A_507 = arith.constant 0 : i32
      %dma_wait3A_508 = tpu.memref_slice %arg8[%dma_wait3A_502, %dma_wait3A_507] : memref<16x128xi32, #tpu.memory_space<vmem>> -> memref<1x128xi32, #tpu.memory_space<vmem>>
      %dma_wait3A_509 = tpu.memref_squeeze %dma_wait3A_508 : memref<1x128xi32, #tpu.memory_space<vmem>> -> memref<128xi32, #tpu.memory_space<vmem>>
      %dma_wait3A_510 = arith.constant 0 : i32
      %dma_wait3A_511 = arith.constant 0 : i32
      %dma_wait3A_512 = tpu.memref_slice %arg10[%dma_wait3A_510, %dma_wait3A_511] : memref<10240x128xf32, #tpu.memory_space<vmem_shared>> -> memref<10240x128xf32, #tpu.memory_space<vmem_shared>>
      tpu.wait_indirect_dma semaphore(%arg13 : memref<!tpu.dma_semaphore, #tpu.memory_space<semaphore_mem>>) src(%dma_wait3A_506 : memref<128x128xf32, #tpu.memory_space<vmem>>) dst(%dma_wait3A_512 : memref<10240x128xf32, #tpu.memory_space<vmem_shared>>)
      %add3A_513 = arith.constant 2 : i32
      %add3A_514 = arith.addi %add3A_99, %add3A_513 : i32
      %min3A = arith.constant 9 : i32
      %min3A_515 = arith.minsi %add3A_514, %min3A : i32
      %mul3A_516 = arith.constant 8 : i32
      %mul3A_517 = arith.muli %min3A_515, %mul3A_516 : i32
      %dma_start3A_518 = arith.constant 0 : i32
      %dma_start3A_519 = arith.constant 0 : i32
      %dma_start3A_520 = tpu.memref_slice %arg8[%dma_start3A_518, %dma_start3A_519] : memref<16x128xi32, #tpu.memory_space<vmem>> -> memref<8x128xi32, #tpu.memory_space<vmem>>
      %dma_start3A_521 = arith.constant 0 : i32
      %dma_start3A_522 = arith.constant 0 : i32
      %dma_start3A_523 = tpu.memref_slice %arg4[%add3A, %dma_start3A_521, %dma_start3A_522] : memref<32x80x128xi32, #tpu.memory_space<hbm>> -> memref<1x80x128xi32, #tpu.memory_space<hbm>>
      %dma_start3A_524 = tpu.memref_squeeze %dma_start3A_523 : memref<1x80x128xi32, #tpu.memory_space<hbm>> -> memref<80x128xi32, #tpu.memory_space<hbm>>
      %dma_start3A_525 = arith.constant 0 : i32
      %dma_start3A_526 = tpu.memref_slice %dma_start3A_524[%mul3A_517, %dma_start3A_525] : memref<80x128xi32, #tpu.memory_space<hbm>> -> memref<8x128xi32, #tpu.memory_space<hbm>>
      %dma_start3A_527 = arith.constant 0 : i32
      %dma_start3A_528 = arith.constant 0 : i32
      %dma_start3A_529 = tpu.memref_slice %arg8[%dma_start3A_527, %dma_start3A_528] : memref<16x128xi32, #tpu.memory_space<vmem>> -> memref<8x128xi32, #tpu.memory_space<vmem>>
      %dma_start3A_530 = arith.constant 0 : i32
      %dma_start3A_531 = arith.constant 0 : i32
      %dma_start3A_532 = tpu.memref_slice %arg4[%add3A, %dma_start3A_530, %dma_start3A_531] : memref<32x80x128xi32, #tpu.memory_space<hbm>> -> memref<1x80x128xi32, #tpu.memory_space<hbm>>
      %dma_start3A_533 = tpu.memref_squeeze %dma_start3A_532 : memref<1x80x128xi32, #tpu.memory_space<hbm>> -> memref<80x128xi32, #tpu.memory_space<hbm>>
      %dma_start3A_534 = arith.constant 0 : i32
      %dma_start3A_535 = tpu.memref_slice %dma_start3A_533[%mul3A_517, %dma_start3A_534] : memref<80x128xi32, #tpu.memory_space<hbm>> -> memref<8x128xi32, #tpu.memory_space<hbm>>
      tpu.enqueue_dma source(%dma_start3A_535 : memref<8x128xi32, #tpu.memory_space<hbm>>) target(%dma_start3A_529 : memref<8x128xi32, #tpu.memory_space<vmem>>) target_semaphore(%arg15 : memref<!tpu.dma_semaphore, #tpu.memory_space<semaphore_mem>>)
      %mul3A_536 = arith.constant 2 : i32
      %mul3A_537 = arith.muli %mul3A_536, %scan3A_95 : i32
      %add3A_538 = arith.constant 1 : i32
      %add3A_539 = arith.addi %mul3A_537, %add3A_538 : i32
      %dma_wait3A_540 = arith.constant 0 : i32
      %dma_wait3A_541 = arith.constant 8 : i32
      %dma_wait3A_542 = arith.constant 0 : i32
      %dma_wait3A_543 = tpu.memref_slice %arg8[%dma_wait3A_541, %dma_wait3A_542] : memref<16x128xi32, #tpu.memory_space<vmem>> -> memref<8x128xi32, #tpu.memory_space<vmem>>
      %dma_wait3A_544 = arith.constant 0 : i32
      %dma_wait3A_545 = arith.constant 0 : i32
      %dma_wait3A_546 = tpu.memref_slice %arg4[%dma_wait3A_540, %dma_wait3A_544, %dma_wait3A_545] : memref<32x80x128xi32, #tpu.memory_space<hbm>> -> memref<1x80x128xi32, #tpu.memory_space<hbm>>
      %dma_wait3A_547 = tpu.memref_squeeze %dma_wait3A_546 : memref<1x80x128xi32, #tpu.memory_space<hbm>> -> memref<80x128xi32, #tpu.memory_space<hbm>>
      %dma_wait3A_548 = arith.constant 0 : i32
      %dma_wait3A_549 = arith.constant 0 : i32
      %dma_wait3A_550 = tpu.memref_slice %dma_wait3A_547[%dma_wait3A_548, %dma_wait3A_549] : memref<80x128xi32, #tpu.memory_space<hbm>> -> memref<8x128xi32, #tpu.memory_space<hbm>>
      %dma_wait3A_551 = arith.constant 8 : i32
      %dma_wait3A_552 = arith.constant 0 : i32
      %dma_wait3A_553 = tpu.memref_slice %arg8[%dma_wait3A_551, %dma_wait3A_552] : memref<16x128xi32, #tpu.memory_space<vmem>> -> memref<8x128xi32, #tpu.memory_space<vmem>>
      %dma_wait3A_554 = arith.constant 0 : i32
      %dma_wait3A_555 = arith.constant 0 : i32
      %dma_wait3A_556 = tpu.memref_slice %arg4[%dma_wait3A_540, %dma_wait3A_554, %dma_wait3A_555] : memref<32x80x128xi32, #tpu.memory_space<hbm>> -> memref<1x80x128xi32, #tpu.memory_space<hbm>>
      %dma_wait3A_557 = tpu.memref_squeeze %dma_wait3A_556 : memref<1x80x128xi32, #tpu.memory_space<hbm>> -> memref<80x128xi32, #tpu.memory_space<hbm>>
      %dma_wait3A_558 = arith.constant 0 : i32
      %dma_wait3A_559 = arith.constant 0 : i32
      %dma_wait3A_560 = tpu.memref_slice %dma_wait3A_557[%dma_wait3A_558, %dma_wait3A_559] : memref<80x128xi32, #tpu.memory_space<hbm>> -> memref<8x128xi32, #tpu.memory_space<hbm>>
      tpu.wait_dma2 semaphore(%arg16 : memref<!tpu.dma_semaphore, #tpu.memory_space<semaphore_mem>>) src(%dma_wait3A_560 : memref<8x128xi32, #tpu.memory_space<hbm>>) dst(%dma_wait3A_553 : memref<8x128xi32, #tpu.memory_space<vmem>>)
      %mul3A_561 = arith.constant 8 : i32
      %mul3A_562 = arith.muli %mul3A_561, %add3A_539 : i32
      %add3A_563 = arith.constant 0 : i32
      %add3A_564 = arith.addi %mul3A_562, %add3A_563 : i32
      %mul3A_565 = arith.constant 128 : i32
      %mul3A_566 = arith.muli %add3A_564, %mul3A_565 : i32
      %dma_start3A_567 = arith.constant 0 : i32
      %dma_start3A_568 = arith.constant 0 : i32
      %dma_start3A_569 = arith.constant 0 : i32
      %dma_start3A_570 = tpu.memref_slice %arg9[%dma_start3A_567, %dma_start3A_568, %dma_start3A_569] : memref<2x128x128xf32, #tpu.memory_space<vmem>> -> memref<1x128x128xf32, #tpu.memory_space<vmem>>
      %dma_start3A_571 = tpu.memref_squeeze %dma_start3A_570 : memref<1x128x128xf32, #tpu.memory_space<vmem>> -> memref<128x128xf32, #tpu.memory_space<vmem>>
      %dma_start3A_572 = tpu.memref_slice %arg7[%mul3A_566] : memref<10240xi32, #tpu.memory_space<vmem>> -> memref<128xi32, #tpu.memory_space<vmem>>
      %dma_start3A_573 = arith.constant 0 : i32
      %dma_start3A_574 = arith.constant 0 : i32
      %dma_start3A_575 = tpu.memref_slice %arg2[%dma_start3A_573, %dma_start3A_574] : memref<10000x128xf32, #tpu.memory_space<hbm>> -> memref<10000x128xf32, #tpu.memory_space<hbm>>
      tpu.enqueue_indirect_dma source(%dma_start3A_575 : memref<10000x128xf32, #tpu.memory_space<hbm>>) target(%dma_start3A_571 : memref<128x128xf32, #tpu.memory_space<vmem>>) offsets(%dma_start3A_572 : memref<128xi32, #tpu.memory_space<vmem>>) semaphore(%arg11 : memref<!tpu.dma_semaphore, #tpu.memory_space<semaphore_mem>>)
      %dma_wait3A_576 = arith.constant 0 : i32
      %dma_wait3A_577 = arith.constant 0 : i32
      %dma_wait3A_578 = arith.constant 0 : i32
      %dma_wait3A_579 = tpu.memref_slice %arg9[%dma_wait3A_576, %dma_wait3A_577, %dma_wait3A_578] : memref<2x128x128xf32, #tpu.memory_space<vmem>> -> memref<1x128x128xf32, #tpu.memory_space<vmem>>
      %dma_wait3A_580 = tpu.memref_squeeze %dma_wait3A_579 : memref<1x128x128xf32, #tpu.memory_space<vmem>> -> memref<128x128xf32, #tpu.memory_space<vmem>>
      %dma_wait3A_581 = arith.constant 0 : i32
      %dma_wait3A_582 = tpu.memref_slice %arg7[%dma_wait3A_581] : memref<10240xi32, #tpu.memory_space<vmem>> -> memref<128xi32, #tpu.memory_space<vmem>>
      %dma_wait3A_583 = arith.constant 0 : i32
      %dma_wait3A_584 = arith.constant 0 : i32
      %dma_wait3A_585 = tpu.memref_slice %arg2[%dma_wait3A_583, %dma_wait3A_584] : memref<10000x128xf32, #tpu.memory_space<hbm>> -> memref<10000x128xf32, #tpu.memory_space<hbm>>
      tpu.wait_indirect_dma semaphore(%arg11 : memref<!tpu.dma_semaphore, #tpu.memory_space<semaphore_mem>>) src(%dma_wait3A_585 : memref<10000x128xf32, #tpu.memory_space<hbm>>) dst(%dma_wait3A_580 : memref<128x128xf32, #tpu.memory_space<vmem>>)
      %dma_start3A_586 = arith.constant 0 : i32
      %dma_start3A_587 = arith.constant 8 : i32
      %dma_start3A_588 = arith.constant 0 : i32
      %dma_start3A_589 = arith.constant 0 : i32
      %dma_start3A_590 = tpu.memref_slice %arg9[%dma_start3A_586, %dma_start3A_588, %dma_start3A_589] : memref<2x128x128xf32, #tpu.memory_space<vmem>> -> memref<1x128x128xf32, #tpu.memory_space<vmem>>
      %dma_start3A_591 = tpu.memref_squeeze %dma_start3A_590 : memref<1x128x128xf32, #tpu.memory_space<vmem>> -> memref<128x128xf32, #tpu.memory_space<vmem>>
      %dma_start3A_592 = arith.constant 0 : i32
      %dma_start3A_593 = tpu.memref_slice %arg8[%dma_start3A_587, %dma_start3A_592] : memref<16x128xi32, #tpu.memory_space<vmem>> -> memref<1x128xi32, #tpu.memory_space<vmem>>
      %dma_start3A_594 = tpu.memref_squeeze %dma_start3A_593 : memref<1x128xi32, #tpu.memory_space<vmem>> -> memref<128xi32, #tpu.memory_space<vmem>>
      %dma_start3A_595 = arith.constant 0 : i32
      %dma_start3A_596 = arith.constant 0 : i32
      %dma_start3A_597 = tpu.memref_slice %arg10[%dma_start3A_595, %dma_start3A_596] : memref<10240x128xf32, #tpu.memory_space<vmem_shared>> -> memref<10240x128xf32, #tpu.memory_space<vmem_shared>>
      tpu.enqueue_indirect_dma source(%dma_start3A_591 : memref<128x128xf32, #tpu.memory_space<vmem>>) target(%dma_start3A_597 : memref<10240x128xf32, #tpu.memory_space<vmem_shared>>) offsets(%dma_start3A_594 : memref<128xi32, #tpu.memory_space<vmem>>) semaphore(%arg13 : memref<!tpu.dma_semaphore, #tpu.memory_space<semaphore_mem>>) {add = true}
      %dma_wait3A_598 = arith.constant 0 : i32
      %dma_wait3A_599 = arith.constant 0 : i32
      %dma_wait3A_600 = arith.constant 0 : i32
      %dma_wait3A_601 = arith.constant 0 : i32
      %dma_wait3A_602 = tpu.memref_slice %arg9[%dma_wait3A_598, %dma_wait3A_600, %dma_wait3A_601] : memref<2x128x128xf32, #tpu.memory_space<vmem>> -> memref<1x128x128xf32, #tpu.memory_space<vmem>>
      %dma_wait3A_603 = tpu.memref_squeeze %dma_wait3A_602 : memref<1x128x128xf32, #tpu.memory_space<vmem>> -> memref<128x128xf32, #tpu.memory_space<vmem>>
      %dma_wait3A_604 = arith.constant 0 : i32
      %dma_wait3A_605 = tpu.memref_slice %arg8[%dma_wait3A_599, %dma_wait3A_604] : memref<16x128xi32, #tpu.memory_space<vmem>> -> memref<1x128xi32, #tpu.memory_space<vmem>>
      %dma_wait3A_606 = tpu.memref_squeeze %dma_wait3A_605 : memref<1x128xi32, #tpu.memory_space<vmem>> -> memref<128xi32, #tpu.memory_space<vmem>>
      %dma_wait3A_607 = arith.constant 0 : i32
      %dma_wait3A_608 = arith.constant 0 : i32
      %dma_wait3A_609 = tpu.memref_slice %arg10[%dma_wait3A_607, %dma_wait3A_608] : memref<10240x128xf32, #tpu.memory_space<vmem_shared>> -> memref<10240x128xf32, #tpu.memory_space<vmem_shared>>
      tpu.wait_indirect_dma semaphore(%arg13 : memref<!tpu.dma_semaphore, #tpu.memory_space<semaphore_mem>>) src(%dma_wait3A_603 : memref<128x128xf32, #tpu.memory_space<vmem>>) dst(%dma_wait3A_609 : memref<10240x128xf32, #tpu.memory_space<vmem_shared>>)
      %mul3A_610 = arith.constant 8 : i32
      %mul3A_611 = arith.muli %mul3A_610, %add3A_539 : i32
      %add3A_612 = arith.constant 1 : i32
      %add3A_613 = arith.addi %mul3A_611, %add3A_612 : i32
      %mul3A_614 = arith.constant 128 : i32
      %mul3A_615 = arith.muli %add3A_613, %mul3A_614 : i32
      %dma_start3A_616 = arith.constant 0 : i32
      %dma_start3A_617 = arith.constant 0 : i32
      %dma_start3A_618 = arith.constant 0 : i32
      %dma_start3A_619 = tpu.memref_slice %arg9[%dma_start3A_616, %dma_start3A_617, %dma_start3A_618] : memref<2x128x128xf32, #tpu.memory_space<vmem>> -> memref<1x128x128xf32, #tpu.memory_space<vmem>>
      %dma_start3A_620 = tpu.memref_squeeze %dma_start3A_619 : memref<1x128x128xf32, #tpu.memory_space<vmem>> -> memref<128x128xf32, #tpu.memory_space<vmem>>
      %dma_start3A_621 = tpu.memref_slice %arg7[%mul3A_615] : memref<10240xi32, #tpu.memory_space<vmem>> -> memref<128xi32, #tpu.memory_space<vmem>>
      %dma_start3A_622 = arith.constant 0 : i32
      %dma_start3A_623 = arith.constant 0 : i32
      %dma_start3A_624 = tpu.memref_slice %arg2[%dma_start3A_622, %dma_start3A_623] : memref<10000x128xf32, #tpu.memory_space<hbm>> -> memref<10000x128xf32, #tpu.memory_space<hbm>>
      tpu.enqueue_indirect_dma source(%dma_start3A_624 : memref<10000x128xf32, #tpu.memory_space<hbm>>) target(%dma_start3A_620 : memref<128x128xf32, #tpu.memory_space<vmem>>) offsets(%dma_start3A_621 : memref<128xi32, #tpu.memory_space<vmem>>) semaphore(%arg11 : memref<!tpu.dma_semaphore, #tpu.memory_space<semaphore_mem>>)
      %dma_wait3A_625 = arith.constant 0 : i32
      %dma_wait3A_626 = arith.constant 0 : i32
      %dma_wait3A_627 = arith.constant 0 : i32
      %dma_wait3A_628 = tpu.memref_slice %arg9[%dma_wait3A_625, %dma_wait3A_626, %dma_wait3A_627] : memref<2x128x128xf32, #tpu.memory_space<vmem>> -> memref<1x128x128xf32, #tpu.memory_space<vmem>>
      %dma_wait3A_629 = tpu.memref_squeeze %dma_wait3A_628 : memref<1x128x128xf32, #tpu.memory_space<vmem>> -> memref<128x128xf32, #tpu.memory_space<vmem>>
      %dma_wait3A_630 = arith.constant 0 : i32
      %dma_wait3A_631 = tpu.memref_slice %arg7[%dma_wait3A_630] : memref<10240xi32, #tpu.memory_space<vmem>> -> memref<128xi32, #tpu.memory_space<vmem>>
      %dma_wait3A_632 = arith.constant 0 : i32
      %dma_wait3A_633 = arith.constant 0 : i32
      %dma_wait3A_634 = tpu.memref_slice %arg2[%dma_wait3A_632, %dma_wait3A_633] : memref<10000x128xf32, #tpu.memory_space<hbm>> -> memref<10000x128xf32, #tpu.memory_space<hbm>>
      tpu.wait_indirect_dma semaphore(%arg11 : memref<!tpu.dma_semaphore, #tpu.memory_space<semaphore_mem>>) src(%dma_wait3A_634 : memref<10000x128xf32, #tpu.memory_space<hbm>>) dst(%dma_wait3A_629 : memref<128x128xf32, #tpu.memory_space<vmem>>)
      %dma_start3A_635 = arith.constant 0 : i32
      %dma_start3A_636 = arith.constant 9 : i32
      %dma_start3A_637 = arith.constant 0 : i32
      %dma_start3A_638 = arith.constant 0 : i32
      %dma_start3A_639 = tpu.memref_slice %arg9[%dma_start3A_635, %dma_start3A_637, %dma_start3A_638] : memref<2x128x128xf32, #tpu.memory_space<vmem>> -> memref<1x128x128xf32, #tpu.memory_space<vmem>>
      %dma_start3A_640 = tpu.memref_squeeze %dma_start3A_639 : memref<1x128x128xf32, #tpu.memory_space<vmem>> -> memref<128x128xf32, #tpu.memory_space<vmem>>
      %dma_start3A_641 = arith.constant 0 : i32
      %dma_start3A_642 = tpu.memref_slice %arg8[%dma_start3A_636, %dma_start3A_641] : memref<16x128xi32, #tpu.memory_space<vmem>> -> memref<1x128xi32, #tpu.memory_space<vmem>>
      %dma_start3A_643 = tpu.memref_squeeze %dma_start3A_642 : memref<1x128xi32, #tpu.memory_space<vmem>> -> memref<128xi32, #tpu.memory_space<vmem>>
      %dma_start3A_644 = arith.constant 0 : i32
      %dma_start3A_645 = arith.constant 0 : i32
      %dma_start3A_646 = tpu.memref_slice %arg10[%dma_start3A_644, %dma_start3A_645] : memref<10240x128xf32, #tpu.memory_space<vmem_shared>> -> memref<10240x128xf32, #tpu.memory_space<vmem_shared>>
      tpu.enqueue_indirect_dma source(%dma_start3A_640 : memref<128x128xf32, #tpu.memory_space<vmem>>) target(%dma_start3A_646 : memref<10240x128xf32, #tpu.memory_space<vmem_shared>>) offsets(%dma_start3A_643 : memref<128xi32, #tpu.memory_space<vmem>>) semaphore(%arg13 : memref<!tpu.dma_semaphore, #tpu.memory_space<semaphore_mem>>) {add = true}
      %dma_wait3A_647 = arith.constant 0 : i32
      %dma_wait3A_648 = arith.constant 0 : i32
      %dma_wait3A_649 = arith.constant 0 : i32
      %dma_wait3A_650 = arith.constant 0 : i32
      %dma_wait3A_651 = tpu.memref_slice %arg9[%dma_wait3A_647, %dma_wait3A_649, %dma_wait3A_650] : memref<2x128x128xf32, #tpu.memory_space<vmem>> -> memref<1x128x128xf32, #tpu.memory_space<vmem>>
      %dma_wait3A_652 = tpu.memref_squeeze %dma_wait3A_651 : memref<1x128x128xf32, #tpu.memory_space<vmem>> -> memref<128x128xf32, #tpu.memory_space<vmem>>
      %dma_wait3A_653 = arith.constant 0 : i32
      %dma_wait3A_654 = tpu.memref_slice %arg8[%dma_wait3A_648, %dma_wait3A_653] : memref<16x128xi32, #tpu.memory_space<vmem>> -> memref<1x128xi32, #tpu.memory_space<vmem>>
      %dma_wait3A_655 = tpu.memref_squeeze %dma_wait3A_654 : memref<1x128xi32, #tpu.memory_space<vmem>> -> memref<128xi32, #tpu.memory_space<vmem>>
      %dma_wait3A_656 = arith.constant 0 : i32
      %dma_wait3A_657 = arith.constant 0 : i32
      %dma_wait3A_658 = tpu.memref_slice %arg10[%dma_wait3A_656, %dma_wait3A_657] : memref<10240x128xf32, #tpu.memory_space<vmem_shared>> -> memref<10240x128xf32, #tpu.memory_space<vmem_shared>>
      tpu.wait_indirect_dma semaphore(%arg13 : memref<!tpu.dma_semaphore, #tpu.memory_space<semaphore_mem>>) src(%dma_wait3A_652 : memref<128x128xf32, #tpu.memory_space<vmem>>) dst(%dma_wait3A_658 : memref<10240x128xf32, #tpu.memory_space<vmem_shared>>)
      %mul3A_659 = arith.constant 8 : i32
      %mul3A_660 = arith.muli %mul3A_659, %add3A_539 : i32
      %add3A_661 = arith.constant 2 : i32
      %add3A_662 = arith.addi %mul3A_660, %add3A_661 : i32
      %mul3A_663 = arith.constant 128 : i32
      %mul3A_664 = arith.muli %add3A_662, %mul3A_663 : i32
      %dma_start3A_665 = arith.constant 0 : i32
      %dma_start3A_666 = arith.constant 0 : i32
      %dma_start3A_667 = arith.constant 0 : i32
      %dma_start3A_668 = tpu.memref_slice %arg9[%dma_start3A_665, %dma_start3A_666, %dma_start3A_667] : memref<2x128x128xf32, #tpu.memory_space<vmem>> -> memref<1x128x128xf32, #tpu.memory_space<vmem>>
      %dma_start3A_669 = tpu.memref_squeeze %dma_start3A_668 : memref<1x128x128xf32, #tpu.memory_space<vmem>> -> memref<128x128xf32, #tpu.memory_space<vmem>>
      %dma_start3A_670 = tpu.memref_slice %arg7[%mul3A_664] : memref<10240xi32, #tpu.memory_space<vmem>> -> memref<128xi32, #tpu.memory_space<vmem>>
      %dma_start3A_671 = arith.constant 0 : i32
      %dma_start3A_672 = arith.constant 0 : i32
      %dma_start3A_673 = tpu.memref_slice %arg2[%dma_start3A_671, %dma_start3A_672] : memref<10000x128xf32, #tpu.memory_space<hbm>> -> memref<10000x128xf32, #tpu.memory_space<hbm>>
      tpu.enqueue_indirect_dma source(%dma_start3A_673 : memref<10000x128xf32, #tpu.memory_space<hbm>>) target(%dma_start3A_669 : memref<128x128xf32, #tpu.memory_space<vmem>>) offsets(%dma_start3A_670 : memref<128xi32, #tpu.memory_space<vmem>>) semaphore(%arg11 : memref<!tpu.dma_semaphore, #tpu.memory_space<semaphore_mem>>)
      %dma_wait3A_674 = arith.constant 0 : i32
      %dma_wait3A_675 = arith.constant 0 : i32
      %dma_wait3A_676 = arith.constant 0 : i32
      %dma_wait3A_677 = tpu.memref_slice %arg9[%dma_wait3A_674, %dma_wait3A_675, %dma_wait3A_676] : memref<2x128x128xf32, #tpu.memory_space<vmem>> -> memref<1x128x128xf32, #tpu.memory_space<vmem>>
      %dma_wait3A_678 = tpu.memref_squeeze %dma_wait3A_677 : memref<1x128x128xf32, #tpu.memory_space<vmem>> -> memref<128x128xf32, #tpu.memory_space<vmem>>
      %dma_wait3A_679 = arith.constant 0 : i32
      %dma_wait3A_680 = tpu.memref_slice %arg7[%dma_wait3A_679] : memref<10240xi32, #tpu.memory_space<vmem>> -> memref<128xi32, #tpu.memory_space<vmem>>
      %dma_wait3A_681 = arith.constant 0 : i32
      %dma_wait3A_682 = arith.constant 0 : i32
      %dma_wait3A_683 = tpu.memref_slice %arg2[%dma_wait3A_681, %dma_wait3A_682] : memref<10000x128xf32, #tpu.memory_space<hbm>> -> memref<10000x128xf32, #tpu.memory_space<hbm>>
      tpu.wait_indirect_dma semaphore(%arg11 : memref<!tpu.dma_semaphore, #tpu.memory_space<semaphore_mem>>) src(%dma_wait3A_683 : memref<10000x128xf32, #tpu.memory_space<hbm>>) dst(%dma_wait3A_678 : memref<128x128xf32, #tpu.memory_space<vmem>>)
      %dma_start3A_684 = arith.constant 0 : i32
      %dma_start3A_685 = arith.constant 10 : i32
      %dma_start3A_686 = arith.constant 0 : i32
      %dma_start3A_687 = arith.constant 0 : i32
      %dma_start3A_688 = tpu.memref_slice %arg9[%dma_start3A_684, %dma_start3A_686, %dma_start3A_687] : memref<2x128x128xf32, #tpu.memory_space<vmem>> -> memref<1x128x128xf32, #tpu.memory_space<vmem>>
      %dma_start3A_689 = tpu.memref_squeeze %dma_start3A_688 : memref<1x128x128xf32, #tpu.memory_space<vmem>> -> memref<128x128xf32, #tpu.memory_space<vmem>>
      %dma_start3A_690 = arith.constant 0 : i32
      %dma_start3A_691 = tpu.memref_slice %arg8[%dma_start3A_685, %dma_start3A_690] : memref<16x128xi32, #tpu.memory_space<vmem>> -> memref<1x128xi32, #tpu.memory_space<vmem>>
      %dma_start3A_692 = tpu.memref_squeeze %dma_start3A_691 : memref<1x128xi32, #tpu.memory_space<vmem>> -> memref<128xi32, #tpu.memory_space<vmem>>
      %dma_start3A_693 = arith.constant 0 : i32
      %dma_start3A_694 = arith.constant 0 : i32
      %dma_start3A_695 = tpu.memref_slice %arg10[%dma_start3A_693, %dma_start3A_694] : memref<10240x128xf32, #tpu.memory_space<vmem_shared>> -> memref<10240x128xf32, #tpu.memory_space<vmem_shared>>
      tpu.enqueue_indirect_dma source(%dma_start3A_689 : memref<128x128xf32, #tpu.memory_space<vmem>>) target(%dma_start3A_695 : memref<10240x128xf32, #tpu.memory_space<vmem_shared>>) offsets(%dma_start3A_692 : memref<128xi32, #tpu.memory_space<vmem>>) semaphore(%arg13 : memref<!tpu.dma_semaphore, #tpu.memory_space<semaphore_mem>>) {add = true}
      %dma_wait3A_696 = arith.constant 0 : i32
      %dma_wait3A_697 = arith.constant 0 : i32
      %dma_wait3A_698 = arith.constant 0 : i32
      %dma_wait3A_699 = arith.constant 0 : i32
      %dma_wait3A_700 = tpu.memref_slice %arg9[%dma_wait3A_696, %dma_wait3A_698, %dma_wait3A_699] : memref<2x128x128xf32, #tpu.memory_space<vmem>> -> memref<1x128x128xf32, #tpu.memory_space<vmem>>
      %dma_wait3A_701 = tpu.memref_squeeze %dma_wait3A_700 : memref<1x128x128xf32, #tpu.memory_space<vmem>> -> memref<128x128xf32, #tpu.memory_space<vmem>>
      %dma_wait3A_702 = arith.constant 0 : i32
      %dma_wait3A_703 = tpu.memref_slice %arg8[%dma_wait3A_697, %dma_wait3A_702] : memref<16x128xi32, #tpu.memory_space<vmem>> -> memref<1x128xi32, #tpu.memory_space<vmem>>
      %dma_wait3A_704 = tpu.memref_squeeze %dma_wait3A_703 : memref<1x128xi32, #tpu.memory_space<vmem>> -> memref<128xi32, #tpu.memory_space<vmem>>
      %dma_wait3A_705 = arith.constant 0 : i32
      %dma_wait3A_706 = arith.constant 0 : i32
      %dma_wait3A_707 = tpu.memref_slice %arg10[%dma_wait3A_705, %dma_wait3A_706] : memref<10240x128xf32, #tpu.memory_space<vmem_shared>> -> memref<10240x128xf32, #tpu.memory_space<vmem_shared>>
      tpu.wait_indirect_dma semaphore(%arg13 : memref<!tpu.dma_semaphore, #tpu.memory_space<semaphore_mem>>) src(%dma_wait3A_701 : memref<128x128xf32, #tpu.memory_space<vmem>>) dst(%dma_wait3A_707 : memref<10240x128xf32, #tpu.memory_space<vmem_shared>>)
      %mul3A_708 = arith.constant 8 : i32
      %mul3A_709 = arith.muli %mul3A_708, %add3A_539 : i32
      %add3A_710 = arith.constant 3 : i32
      %add3A_711 = arith.addi %mul3A_709, %add3A_710 : i32
      %mul3A_712 = arith.constant 128 : i32
      %mul3A_713 = arith.muli %add3A_711, %mul3A_712 : i32
      %dma_start3A_714 = arith.constant 0 : i32
      %dma_start3A_715 = arith.constant 0 : i32
      %dma_start3A_716 = arith.constant 0 : i32
      %dma_start3A_717 = tpu.memref_slice %arg9[%dma_start3A_714, %dma_start3A_715, %dma_start3A_716] : memref<2x128x128xf32, #tpu.memory_space<vmem>> -> memref<1x128x128xf32, #tpu.memory_space<vmem>>
      %dma_start3A_718 = tpu.memref_squeeze %dma_start3A_717 : memref<1x128x128xf32, #tpu.memory_space<vmem>> -> memref<128x128xf32, #tpu.memory_space<vmem>>
      %dma_start3A_719 = tpu.memref_slice %arg7[%mul3A_713] : memref<10240xi32, #tpu.memory_space<vmem>> -> memref<128xi32, #tpu.memory_space<vmem>>
      %dma_start3A_720 = arith.constant 0 : i32
      %dma_start3A_721 = arith.constant 0 : i32
      %dma_start3A_722 = tpu.memref_slice %arg2[%dma_start3A_720, %dma_start3A_721] : memref<10000x128xf32, #tpu.memory_space<hbm>> -> memref<10000x128xf32, #tpu.memory_space<hbm>>
      tpu.enqueue_indirect_dma source(%dma_start3A_722 : memref<10000x128xf32, #tpu.memory_space<hbm>>) target(%dma_start3A_718 : memref<128x128xf32, #tpu.memory_space<vmem>>) offsets(%dma_start3A_719 : memref<128xi32, #tpu.memory_space<vmem>>) semaphore(%arg11 : memref<!tpu.dma_semaphore, #tpu.memory_space<semaphore_mem>>)
      %dma_wait3A_723 = arith.constant 0 : i32
      %dma_wait3A_724 = arith.constant 0 : i32
      %dma_wait3A_725 = arith.constant 0 : i32
      %dma_wait3A_726 = tpu.memref_slice %arg9[%dma_wait3A_723, %dma_wait3A_724, %dma_wait3A_725] : memref<2x128x128xf32, #tpu.memory_space<vmem>> -> memref<1x128x128xf32, #tpu.memory_space<vmem>>
      %dma_wait3A_727 = tpu.memref_squeeze %dma_wait3A_726 : memref<1x128x128xf32, #tpu.memory_space<vmem>> -> memref<128x128xf32, #tpu.memory_space<vmem>>
      %dma_wait3A_728 = arith.constant 0 : i32
      %dma_wait3A_729 = tpu.memref_slice %arg7[%dma_wait3A_728] : memref<10240xi32, #tpu.memory_space<vmem>> -> memref<128xi32, #tpu.memory_space<vmem>>
      %dma_wait3A_730 = arith.constant 0 : i32
      %dma_wait3A_731 = arith.constant 0 : i32
      %dma_wait3A_732 = tpu.memref_slice %arg2[%dma_wait3A_730, %dma_wait3A_731] : memref<10000x128xf32, #tpu.memory_space<hbm>> -> memref<10000x128xf32, #tpu.memory_space<hbm>>
      tpu.wait_indirect_dma semaphore(%arg11 : memref<!tpu.dma_semaphore, #tpu.memory_space<semaphore_mem>>) src(%dma_wait3A_732 : memref<10000x128xf32, #tpu.memory_space<hbm>>) dst(%dma_wait3A_727 : memref<128x128xf32, #tpu.memory_space<vmem>>)
      %dma_start3A_733 = arith.constant 0 : i32
      %dma_start3A_734 = arith.constant 11 : i32
      %dma_start3A_735 = arith.constant 0 : i32
      %dma_start3A_736 = arith.constant 0 : i32
      %dma_start3A_737 = tpu.memref_slice %arg9[%dma_start3A_733, %dma_start3A_735, %dma_start3A_736] : memref<2x128x128xf32, #tpu.memory_space<vmem>> -> memref<1x128x128xf32, #tpu.memory_space<vmem>>
      %dma_start3A_738 = tpu.memref_squeeze %dma_start3A_737 : memref<1x128x128xf32, #tpu.memory_space<vmem>> -> memref<128x128xf32, #tpu.memory_space<vmem>>
      %dma_start3A_739 = arith.constant 0 : i32
      %dma_start3A_740 = tpu.memref_slice %arg8[%dma_start3A_734, %dma_start3A_739] : memref<16x128xi32, #tpu.memory_space<vmem>> -> memref<1x128xi32, #tpu.memory_space<vmem>>
      %dma_start3A_741 = tpu.memref_squeeze %dma_start3A_740 : memref<1x128xi32, #tpu.memory_space<vmem>> -> memref<128xi32, #tpu.memory_space<vmem>>
      %dma_start3A_742 = arith.constant 0 : i32
      %dma_start3A_743 = arith.constant 0 : i32
      %dma_start3A_744 = tpu.memref_slice %arg10[%dma_start3A_742, %dma_start3A_743] : memref<10240x128xf32, #tpu.memory_space<vmem_shared>> -> memref<10240x128xf32, #tpu.memory_space<vmem_shared>>
      tpu.enqueue_indirect_dma source(%dma_start3A_738 : memref<128x128xf32, #tpu.memory_space<vmem>>) target(%dma_start3A_744 : memref<10240x128xf32, #tpu.memory_space<vmem_shared>>) offsets(%dma_start3A_741 : memref<128xi32, #tpu.memory_space<vmem>>) semaphore(%arg13 : memref<!tpu.dma_semaphore, #tpu.memory_space<semaphore_mem>>) {add = true}
      %dma_wait3A_745 = arith.constant 0 : i32
      %dma_wait3A_746 = arith.constant 0 : i32
      %dma_wait3A_747 = arith.constant 0 : i32
      %dma_wait3A_748 = arith.constant 0 : i32
      %dma_wait3A_749 = tpu.memref_slice %arg9[%dma_wait3A_745, %dma_wait3A_747, %dma_wait3A_748] : memref<2x128x128xf32, #tpu.memory_space<vmem>> -> memref<1x128x128xf32, #tpu.memory_space<vmem>>
      %dma_wait3A_750 = tpu.memref_squeeze %dma_wait3A_749 : memref<1x128x128xf32, #tpu.memory_space<vmem>> -> memref<128x128xf32, #tpu.memory_space<vmem>>
      %dma_wait3A_751 = arith.constant 0 : i32
      %dma_wait3A_752 = tpu.memref_slice %arg8[%dma_wait3A_746, %dma_wait3A_751] : memref<16x128xi32, #tpu.memory_space<vmem>> -> memref<1x128xi32, #tpu.memory_space<vmem>>
      %dma_wait3A_753 = tpu.memref_squeeze %dma_wait3A_752 : memref<1x128xi32, #tpu.memory_space<vmem>> -> memref<128xi32, #tpu.memory_space<vmem>>
      %dma_wait3A_754 = arith.constant 0 : i32
      %dma_wait3A_755 = arith.constant 0 : i32
      %dma_wait3A_756 = tpu.memref_slice %arg10[%dma_wait3A_754, %dma_wait3A_755] : memref<10240x128xf32, #tpu.memory_space<vmem_shared>> -> memref<10240x128xf32, #tpu.memory_space<vmem_shared>>
      tpu.wait_indirect_dma semaphore(%arg13 : memref<!tpu.dma_semaphore, #tpu.memory_space<semaphore_mem>>) src(%dma_wait3A_750 : memref<128x128xf32, #tpu.memory_space<vmem>>) dst(%dma_wait3A_756 : memref<10240x128xf32, #tpu.memory_space<vmem_shared>>)
      %mul3A_757 = arith.constant 8 : i32
      %mul3A_758 = arith.muli %mul3A_757, %add3A_539 : i32
      %add3A_759 = arith.constant 4 : i32
      %add3A_760 = arith.addi %mul3A_758, %add3A_759 : i32
      %mul3A_761 = arith.constant 128 : i32
      %mul3A_762 = arith.muli %add3A_760, %mul3A_761 : i32
      %dma_start3A_763 = arith.constant 0 : i32
      %dma_start3A_764 = arith.constant 0 : i32
      %dma_start3A_765 = arith.constant 0 : i32
      %dma_start3A_766 = tpu.memref_slice %arg9[%dma_start3A_763, %dma_start3A_764, %dma_start3A_765] : memref<2x128x128xf32, #tpu.memory_space<vmem>> -> memref<1x128x128xf32, #tpu.memory_space<vmem>>
      %dma_start3A_767 = tpu.memref_squeeze %dma_start3A_766 : memref<1x128x128xf32, #tpu.memory_space<vmem>> -> memref<128x128xf32, #tpu.memory_space<vmem>>
      %dma_start3A_768 = tpu.memref_slice %arg7[%mul3A_762] : memref<10240xi32, #tpu.memory_space<vmem>> -> memref<128xi32, #tpu.memory_space<vmem>>
      %dma_start3A_769 = arith.constant 0 : i32
      %dma_start3A_770 = arith.constant 0 : i32
      %dma_start3A_771 = tpu.memref_slice %arg2[%dma_start3A_769, %dma_start3A_770] : memref<10000x128xf32, #tpu.memory_space<hbm>> -> memref<10000x128xf32, #tpu.memory_space<hbm>>
      tpu.enqueue_indirect_dma source(%dma_start3A_771 : memref<10000x128xf32, #tpu.memory_space<hbm>>) target(%dma_start3A_767 : memref<128x128xf32, #tpu.memory_space<vmem>>) offsets(%dma_start3A_768 : memref<128xi32, #tpu.memory_space<vmem>>) semaphore(%arg11 : memref<!tpu.dma_semaphore, #tpu.memory_space<semaphore_mem>>)
      %dma_wait3A_772 = arith.constant 0 : i32
      %dma_wait3A_773 = arith.constant 0 : i32
      %dma_wait3A_774 = arith.constant 0 : i32
      %dma_wait3A_775 = tpu.memref_slice %arg9[%dma_wait3A_772, %dma_wait3A_773, %dma_wait3A_774] : memref<2x128x128xf32, #tpu.memory_space<vmem>> -> memref<1x128x128xf32, #tpu.memory_space<vmem>>
      %dma_wait3A_776 = tpu.memref_squeeze %dma_wait3A_775 : memref<1x128x128xf32, #tpu.memory_space<vmem>> -> memref<128x128xf32, #tpu.memory_space<vmem>>
      %dma_wait3A_777 = arith.constant 0 : i32
      %dma_wait3A_778 = tpu.memref_slice %arg7[%dma_wait3A_777] : memref<10240xi32, #tpu.memory_space<vmem>> -> memref<128xi32, #tpu.memory_space<vmem>>
      %dma_wait3A_779 = arith.constant 0 : i32
      %dma_wait3A_780 = arith.constant 0 : i32
      %dma_wait3A_781 = tpu.memref_slice %arg2[%dma_wait3A_779, %dma_wait3A_780] : memref<10000x128xf32, #tpu.memory_space<hbm>> -> memref<10000x128xf32, #tpu.memory_space<hbm>>
      tpu.wait_indirect_dma semaphore(%arg11 : memref<!tpu.dma_semaphore, #tpu.memory_space<semaphore_mem>>) src(%dma_wait3A_781 : memref<10000x128xf32, #tpu.memory_space<hbm>>) dst(%dma_wait3A_776 : memref<128x128xf32, #tpu.memory_space<vmem>>)
      %dma_start3A_782 = arith.constant 0 : i32
      %dma_start3A_783 = arith.constant 12 : i32
      %dma_start3A_784 = arith.constant 0 : i32
      %dma_start3A_785 = arith.constant 0 : i32
      %dma_start3A_786 = tpu.memref_slice %arg9[%dma_start3A_782, %dma_start3A_784, %dma_start3A_785] : memref<2x128x128xf32, #tpu.memory_space<vmem>> -> memref<1x128x128xf32, #tpu.memory_space<vmem>>
      %dma_start3A_787 = tpu.memref_squeeze %dma_start3A_786 : memref<1x128x128xf32, #tpu.memory_space<vmem>> -> memref<128x128xf32, #tpu.memory_space<vmem>>
      %dma_start3A_788 = arith.constant 0 : i32
      %dma_start3A_789 = tpu.memref_slice %arg8[%dma_start3A_783, %dma_start3A_788] : memref<16x128xi32, #tpu.memory_space<vmem>> -> memref<1x128xi32, #tpu.memory_space<vmem>>
      %dma_start3A_790 = tpu.memref_squeeze %dma_start3A_789 : memref<1x128xi32, #tpu.memory_space<vmem>> -> memref<128xi32, #tpu.memory_space<vmem>>
      %dma_start3A_791 = arith.constant 0 : i32
      %dma_start3A_792 = arith.constant 0 : i32
      %dma_start3A_793 = tpu.memref_slice %arg10[%dma_start3A_791, %dma_start3A_792] : memref<10240x128xf32, #tpu.memory_space<vmem_shared>> -> memref<10240x128xf32, #tpu.memory_space<vmem_shared>>
      tpu.enqueue_indirect_dma source(%dma_start3A_787 : memref<128x128xf32, #tpu.memory_space<vmem>>) target(%dma_start3A_793 : memref<10240x128xf32, #tpu.memory_space<vmem_shared>>) offsets(%dma_start3A_790 : memref<128xi32, #tpu.memory_space<vmem>>) semaphore(%arg13 : memref<!tpu.dma_semaphore, #tpu.memory_space<semaphore_mem>>) {add = true}
      %dma_wait3A_794 = arith.constant 0 : i32
      %dma_wait3A_795 = arith.constant 0 : i32
      %dma_wait3A_796 = arith.constant 0 : i32
      %dma_wait3A_797 = arith.constant 0 : i32
      %dma_wait3A_798 = tpu.memref_slice %arg9[%dma_wait3A_794, %dma_wait3A_796, %dma_wait3A_797] : memref<2x128x128xf32, #tpu.memory_space<vmem>> -> memref<1x128x128xf32, #tpu.memory_space<vmem>>
      %dma_wait3A_799 = tpu.memref_squeeze %dma_wait3A_798 : memref<1x128x128xf32, #tpu.memory_space<vmem>> -> memref<128x128xf32, #tpu.memory_space<vmem>>
      %dma_wait3A_800 = arith.constant 0 : i32
      %dma_wait3A_801 = tpu.memref_slice %arg8[%dma_wait3A_795, %dma_wait3A_800] : memref<16x128xi32, #tpu.memory_space<vmem>> -> memref<1x128xi32, #tpu.memory_space<vmem>>
      %dma_wait3A_802 = tpu.memref_squeeze %dma_wait3A_801 : memref<1x128xi32, #tpu.memory_space<vmem>> -> memref<128xi32, #tpu.memory_space<vmem>>
      %dma_wait3A_803 = arith.constant 0 : i32
      %dma_wait3A_804 = arith.constant 0 : i32
      %dma_wait3A_805 = tpu.memref_slice %arg10[%dma_wait3A_803, %dma_wait3A_804] : memref<10240x128xf32, #tpu.memory_space<vmem_shared>> -> memref<10240x128xf32, #tpu.memory_space<vmem_shared>>
      tpu.wait_indirect_dma semaphore(%arg13 : memref<!tpu.dma_semaphore, #tpu.memory_space<semaphore_mem>>) src(%dma_wait3A_799 : memref<128x128xf32, #tpu.memory_space<vmem>>) dst(%dma_wait3A_805 : memref<10240x128xf32, #tpu.memory_space<vmem_shared>>)
      %mul3A_806 = arith.constant 8 : i32
      %mul3A_807 = arith.muli %mul3A_806, %add3A_539 : i32
      %add3A_808 = arith.constant 5 : i32
      %add3A_809 = arith.addi %mul3A_807, %add3A_808 : i32
      %mul3A_810 = arith.constant 128 : i32
      %mul3A_811 = arith.muli %add3A_809, %mul3A_810 : i32
      %dma_start3A_812 = arith.constant 0 : i32
      %dma_start3A_813 = arith.constant 0 : i32
      %dma_start3A_814 = arith.constant 0 : i32
      %dma_start3A_815 = tpu.memref_slice %arg9[%dma_start3A_812, %dma_start3A_813, %dma_start3A_814] : memref<2x128x128xf32, #tpu.memory_space<vmem>> -> memref<1x128x128xf32, #tpu.memory_space<vmem>>
      %dma_start3A_816 = tpu.memref_squeeze %dma_start3A_815 : memref<1x128x128xf32, #tpu.memory_space<vmem>> -> memref<128x128xf32, #tpu.memory_space<vmem>>
      %dma_start3A_817 = tpu.memref_slice %arg7[%mul3A_811] : memref<10240xi32, #tpu.memory_space<vmem>> -> memref<128xi32, #tpu.memory_space<vmem>>
      %dma_start3A_818 = arith.constant 0 : i32
      %dma_start3A_819 = arith.constant 0 : i32
      %dma_start3A_820 = tpu.memref_slice %arg2[%dma_start3A_818, %dma_start3A_819] : memref<10000x128xf32, #tpu.memory_space<hbm>> -> memref<10000x128xf32, #tpu.memory_space<hbm>>
      tpu.enqueue_indirect_dma source(%dma_start3A_820 : memref<10000x128xf32, #tpu.memory_space<hbm>>) target(%dma_start3A_816 : memref<128x128xf32, #tpu.memory_space<vmem>>) offsets(%dma_start3A_817 : memref<128xi32, #tpu.memory_space<vmem>>) semaphore(%arg11 : memref<!tpu.dma_semaphore, #tpu.memory_space<semaphore_mem>>)
      %dma_wait3A_821 = arith.constant 0 : i32
      %dma_wait3A_822 = arith.constant 0 : i32
      %dma_wait3A_823 = arith.constant 0 : i32
      %dma_wait3A_824 = tpu.memref_slice %arg9[%dma_wait3A_821, %dma_wait3A_822, %dma_wait3A_823] : memref<2x128x128xf32, #tpu.memory_space<vmem>> -> memref<1x128x128xf32, #tpu.memory_space<vmem>>
      %dma_wait3A_825 = tpu.memref_squeeze %dma_wait3A_824 : memref<1x128x128xf32, #tpu.memory_space<vmem>> -> memref<128x128xf32, #tpu.memory_space<vmem>>
      %dma_wait3A_826 = arith.constant 0 : i32
      %dma_wait3A_827 = tpu.memref_slice %arg7[%dma_wait3A_826] : memref<10240xi32, #tpu.memory_space<vmem>> -> memref<128xi32, #tpu.memory_space<vmem>>
      %dma_wait3A_828 = arith.constant 0 : i32
      %dma_wait3A_829 = arith.constant 0 : i32
      %dma_wait3A_830 = tpu.memref_slice %arg2[%dma_wait3A_828, %dma_wait3A_829] : memref<10000x128xf32, #tpu.memory_space<hbm>> -> memref<10000x128xf32, #tpu.memory_space<hbm>>
      tpu.wait_indirect_dma semaphore(%arg11 : memref<!tpu.dma_semaphore, #tpu.memory_space<semaphore_mem>>) src(%dma_wait3A_830 : memref<10000x128xf32, #tpu.memory_space<hbm>>) dst(%dma_wait3A_825 : memref<128x128xf32, #tpu.memory_space<vmem>>)
      %dma_start3A_831 = arith.constant 0 : i32
      %dma_start3A_832 = arith.constant 13 : i32
      %dma_start3A_833 = arith.constant 0 : i32
      %dma_start3A_834 = arith.constant 0 : i32
      %dma_start3A_835 = tpu.memref_slice %arg9[%dma_start3A_831, %dma_start3A_833, %dma_start3A_834] : memref<2x128x128xf32, #tpu.memory_space<vmem>> -> memref<1x128x128xf32, #tpu.memory_space<vmem>>
      %dma_start3A_836 = tpu.memref_squeeze %dma_start3A_835 : memref<1x128x128xf32, #tpu.memory_space<vmem>> -> memref<128x128xf32, #tpu.memory_space<vmem>>
      %dma_start3A_837 = arith.constant 0 : i32
      %dma_start3A_838 = tpu.memref_slice %arg8[%dma_start3A_832, %dma_start3A_837] : memref<16x128xi32, #tpu.memory_space<vmem>> -> memref<1x128xi32, #tpu.memory_space<vmem>>
      %dma_start3A_839 = tpu.memref_squeeze %dma_start3A_838 : memref<1x128xi32, #tpu.memory_space<vmem>> -> memref<128xi32, #tpu.memory_space<vmem>>
      %dma_start3A_840 = arith.constant 0 : i32
      %dma_start3A_841 = arith.constant 0 : i32
      %dma_start3A_842 = tpu.memref_slice %arg10[%dma_start3A_840, %dma_start3A_841] : memref<10240x128xf32, #tpu.memory_space<vmem_shared>> -> memref<10240x128xf32, #tpu.memory_space<vmem_shared>>
      tpu.enqueue_indirect_dma source(%dma_start3A_836 : memref<128x128xf32, #tpu.memory_space<vmem>>) target(%dma_start3A_842 : memref<10240x128xf32, #tpu.memory_space<vmem_shared>>) offsets(%dma_start3A_839 : memref<128xi32, #tpu.memory_space<vmem>>) semaphore(%arg13 : memref<!tpu.dma_semaphore, #tpu.memory_space<semaphore_mem>>) {add = true}
      %dma_wait3A_843 = arith.constant 0 : i32
      %dma_wait3A_844 = arith.constant 0 : i32
      %dma_wait3A_845 = arith.constant 0 : i32
      %dma_wait3A_846 = arith.constant 0 : i32
      %dma_wait3A_847 = tpu.memref_slice %arg9[%dma_wait3A_843, %dma_wait3A_845, %dma_wait3A_846] : memref<2x128x128xf32, #tpu.memory_space<vmem>> -> memref<1x128x128xf32, #tpu.memory_space<vmem>>
      %dma_wait3A_848 = tpu.memref_squeeze %dma_wait3A_847 : memref<1x128x128xf32, #tpu.memory_space<vmem>> -> memref<128x128xf32, #tpu.memory_space<vmem>>
      %dma_wait3A_849 = arith.constant 0 : i32
      %dma_wait3A_850 = tpu.memref_slice %arg8[%dma_wait3A_844, %dma_wait3A_849] : memref<16x128xi32, #tpu.memory_space<vmem>> -> memref<1x128xi32, #tpu.memory_space<vmem>>
      %dma_wait3A_851 = tpu.memref_squeeze %dma_wait3A_850 : memref<1x128xi32, #tpu.memory_space<vmem>> -> memref<128xi32, #tpu.memory_space<vmem>>
      %dma_wait3A_852 = arith.constant 0 : i32
      %dma_wait3A_853 = arith.constant 0 : i32
      %dma_wait3A_854 = tpu.memref_slice %arg10[%dma_wait3A_852, %dma_wait3A_853] : memref<10240x128xf32, #tpu.memory_space<vmem_shared>> -> memref<10240x128xf32, #tpu.memory_space<vmem_shared>>
      tpu.wait_indirect_dma semaphore(%arg13 : memref<!tpu.dma_semaphore, #tpu.memory_space<semaphore_mem>>) src(%dma_wait3A_848 : memref<128x128xf32, #tpu.memory_space<vmem>>) dst(%dma_wait3A_854 : memref<10240x128xf32, #tpu.memory_space<vmem_shared>>)
      %mul3A_855 = arith.constant 8 : i32
      %mul3A_856 = arith.muli %mul3A_855, %add3A_539 : i32
      %add3A_857 = arith.constant 6 : i32
      %add3A_858 = arith.addi %mul3A_856, %add3A_857 : i32
      %mul3A_859 = arith.constant 128 : i32
      %mul3A_860 = arith.muli %add3A_858, %mul3A_859 : i32
      %dma_start3A_861 = arith.constant 0 : i32
      %dma_start3A_862 = arith.constant 0 : i32
      %dma_start3A_863 = arith.constant 0 : i32
      %dma_start3A_864 = tpu.memref_slice %arg9[%dma_start3A_861, %dma_start3A_862, %dma_start3A_863] : memref<2x128x128xf32, #tpu.memory_space<vmem>> -> memref<1x128x128xf32, #tpu.memory_space<vmem>>
      %dma_start3A_865 = tpu.memref_squeeze %dma_start3A_864 : memref<1x128x128xf32, #tpu.memory_space<vmem>> -> memref<128x128xf32, #tpu.memory_space<vmem>>
      %dma_start3A_866 = tpu.memref_slice %arg7[%mul3A_860] : memref<10240xi32, #tpu.memory_space<vmem>> -> memref<128xi32, #tpu.memory_space<vmem>>
      %dma_start3A_867 = arith.constant 0 : i32
      %dma_start3A_868 = arith.constant 0 : i32
      %dma_start3A_869 = tpu.memref_slice %arg2[%dma_start3A_867, %dma_start3A_868] : memref<10000x128xf32, #tpu.memory_space<hbm>> -> memref<10000x128xf32, #tpu.memory_space<hbm>>
      tpu.enqueue_indirect_dma source(%dma_start3A_869 : memref<10000x128xf32, #tpu.memory_space<hbm>>) target(%dma_start3A_865 : memref<128x128xf32, #tpu.memory_space<vmem>>) offsets(%dma_start3A_866 : memref<128xi32, #tpu.memory_space<vmem>>) semaphore(%arg11 : memref<!tpu.dma_semaphore, #tpu.memory_space<semaphore_mem>>)
      %dma_wait3A_870 = arith.constant 0 : i32
      %dma_wait3A_871 = arith.constant 0 : i32
      %dma_wait3A_872 = arith.constant 0 : i32
      %dma_wait3A_873 = tpu.memref_slice %arg9[%dma_wait3A_870, %dma_wait3A_871, %dma_wait3A_872] : memref<2x128x128xf32, #tpu.memory_space<vmem>> -> memref<1x128x128xf32, #tpu.memory_space<vmem>>
      %dma_wait3A_874 = tpu.memref_squeeze %dma_wait3A_873 : memref<1x128x128xf32, #tpu.memory_space<vmem>> -> memref<128x128xf32, #tpu.memory_space<vmem>>
      %dma_wait3A_875 = arith.constant 0 : i32
      %dma_wait3A_876 = tpu.memref_slice %arg7[%dma_wait3A_875] : memref<10240xi32, #tpu.memory_space<vmem>> -> memref<128xi32, #tpu.memory_space<vmem>>
      %dma_wait3A_877 = arith.constant 0 : i32
      %dma_wait3A_878 = arith.constant 0 : i32
      %dma_wait3A_879 = tpu.memref_slice %arg2[%dma_wait3A_877, %dma_wait3A_878] : memref<10000x128xf32, #tpu.memory_space<hbm>> -> memref<10000x128xf32, #tpu.memory_space<hbm>>
      tpu.wait_indirect_dma semaphore(%arg11 : memref<!tpu.dma_semaphore, #tpu.memory_space<semaphore_mem>>) src(%dma_wait3A_879 : memref<10000x128xf32, #tpu.memory_space<hbm>>) dst(%dma_wait3A_874 : memref<128x128xf32, #tpu.memory_space<vmem>>)
      %dma_start3A_880 = arith.constant 0 : i32
      %dma_start3A_881 = arith.constant 14 : i32
      %dma_start3A_882 = arith.constant 0 : i32
      %dma_start3A_883 = arith.constant 0 : i32
      %dma_start3A_884 = tpu.memref_slice %arg9[%dma_start3A_880, %dma_start3A_882, %dma_start3A_883] : memref<2x128x128xf32, #tpu.memory_space<vmem>> -> memref<1x128x128xf32, #tpu.memory_space<vmem>>
      %dma_start3A_885 = tpu.memref_squeeze %dma_start3A_884 : memref<1x128x128xf32, #tpu.memory_space<vmem>> -> memref<128x128xf32, #tpu.memory_space<vmem>>
      %dma_start3A_886 = arith.constant 0 : i32
      %dma_start3A_887 = tpu.memref_slice %arg8[%dma_start3A_881, %dma_start3A_886] : memref<16x128xi32, #tpu.memory_space<vmem>> -> memref<1x128xi32, #tpu.memory_space<vmem>>
      %dma_start3A_888 = tpu.memref_squeeze %dma_start3A_887 : memref<1x128xi32, #tpu.memory_space<vmem>> -> memref<128xi32, #tpu.memory_space<vmem>>
      %dma_start3A_889 = arith.constant 0 : i32
      %dma_start3A_890 = arith.constant 0 : i32
      %dma_start3A_891 = tpu.memref_slice %arg10[%dma_start3A_889, %dma_start3A_890] : memref<10240x128xf32, #tpu.memory_space<vmem_shared>> -> memref<10240x128xf32, #tpu.memory_space<vmem_shared>>
      tpu.enqueue_indirect_dma source(%dma_start3A_885 : memref<128x128xf32, #tpu.memory_space<vmem>>) target(%dma_start3A_891 : memref<10240x128xf32, #tpu.memory_space<vmem_shared>>) offsets(%dma_start3A_888 : memref<128xi32, #tpu.memory_space<vmem>>) semaphore(%arg13 : memref<!tpu.dma_semaphore, #tpu.memory_space<semaphore_mem>>) {add = true}
      %dma_wait3A_892 = arith.constant 0 : i32
      %dma_wait3A_893 = arith.constant 0 : i32
      %dma_wait3A_894 = arith.constant 0 : i32
      %dma_wait3A_895 = arith.constant 0 : i32
      %dma_wait3A_896 = tpu.memref_slice %arg9[%dma_wait3A_892, %dma_wait3A_894, %dma_wait3A_895] : memref<2x128x128xf32, #tpu.memory_space<vmem>> -> memref<1x128x128xf32, #tpu.memory_space<vmem>>
      %dma_wait3A_897 = tpu.memref_squeeze %dma_wait3A_896 : memref<1x128x128xf32, #tpu.memory_space<vmem>> -> memref<128x128xf32, #tpu.memory_space<vmem>>
      %dma_wait3A_898 = arith.constant 0 : i32
      %dma_wait3A_899 = tpu.memref_slice %arg8[%dma_wait3A_893, %dma_wait3A_898] : memref<16x128xi32, #tpu.memory_space<vmem>> -> memref<1x128xi32, #tpu.memory_space<vmem>>
      %dma_wait3A_900 = tpu.memref_squeeze %dma_wait3A_899 : memref<1x128xi32, #tpu.memory_space<vmem>> -> memref<128xi32, #tpu.memory_space<vmem>>
      %dma_wait3A_901 = arith.constant 0 : i32
      %dma_wait3A_902 = arith.constant 0 : i32
      %dma_wait3A_903 = tpu.memref_slice %arg10[%dma_wait3A_901, %dma_wait3A_902] : memref<10240x128xf32, #tpu.memory_space<vmem_shared>> -> memref<10240x128xf32, #tpu.memory_space<vmem_shared>>
      tpu.wait_indirect_dma semaphore(%arg13 : memref<!tpu.dma_semaphore, #tpu.memory_space<semaphore_mem>>) src(%dma_wait3A_897 : memref<128x128xf32, #tpu.memory_space<vmem>>) dst(%dma_wait3A_903 : memref<10240x128xf32, #tpu.memory_space<vmem_shared>>)
      %mul3A_904 = arith.constant 8 : i32
      %mul3A_905 = arith.muli %mul3A_904, %add3A_539 : i32
      %add3A_906 = arith.constant 7 : i32
      %add3A_907 = arith.addi %mul3A_905, %add3A_906 : i32
      %mul3A_908 = arith.constant 128 : i32
      %mul3A_909 = arith.muli %add3A_907, %mul3A_908 : i32
      %dma_start3A_910 = arith.constant 0 : i32
      %dma_start3A_911 = arith.constant 0 : i32
      %dma_start3A_912 = arith.constant 0 : i32
      %dma_start3A_913 = tpu.memref_slice %arg9[%dma_start3A_910, %dma_start3A_911, %dma_start3A_912] : memref<2x128x128xf32, #tpu.memory_space<vmem>> -> memref<1x128x128xf32, #tpu.memory_space<vmem>>
      %dma_start3A_914 = tpu.memref_squeeze %dma_start3A_913 : memref<1x128x128xf32, #tpu.memory_space<vmem>> -> memref<128x128xf32, #tpu.memory_space<vmem>>
      %dma_start3A_915 = tpu.memref_slice %arg7[%mul3A_909] : memref<10240xi32, #tpu.memory_space<vmem>> -> memref<128xi32, #tpu.memory_space<vmem>>
      %dma_start3A_916 = arith.constant 0 : i32
      %dma_start3A_917 = arith.constant 0 : i32
      %dma_start3A_918 = tpu.memref_slice %arg2[%dma_start3A_916, %dma_start3A_917] : memref<10000x128xf32, #tpu.memory_space<hbm>> -> memref<10000x128xf32, #tpu.memory_space<hbm>>
      tpu.enqueue_indirect_dma source(%dma_start3A_918 : memref<10000x128xf32, #tpu.memory_space<hbm>>) target(%dma_start3A_914 : memref<128x128xf32, #tpu.memory_space<vmem>>) offsets(%dma_start3A_915 : memref<128xi32, #tpu.memory_space<vmem>>) semaphore(%arg11 : memref<!tpu.dma_semaphore, #tpu.memory_space<semaphore_mem>>)
      %dma_wait3A_919 = arith.constant 0 : i32
      %dma_wait3A_920 = arith.constant 0 : i32
      %dma_wait3A_921 = arith.constant 0 : i32
      %dma_wait3A_922 = tpu.memref_slice %arg9[%dma_wait3A_919, %dma_wait3A_920, %dma_wait3A_921] : memref<2x128x128xf32, #tpu.memory_space<vmem>> -> memref<1x128x128xf32, #tpu.memory_space<vmem>>
      %dma_wait3A_923 = tpu.memref_squeeze %dma_wait3A_922 : memref<1x128x128xf32, #tpu.memory_space<vmem>> -> memref<128x128xf32, #tpu.memory_space<vmem>>
      %dma_wait3A_924 = arith.constant 0 : i32
      %dma_wait3A_925 = tpu.memref_slice %arg7[%dma_wait3A_924] : memref<10240xi32, #tpu.memory_space<vmem>> -> memref<128xi32, #tpu.memory_space<vmem>>
      %dma_wait3A_926 = arith.constant 0 : i32
      %dma_wait3A_927 = arith.constant 0 : i32
      %dma_wait3A_928 = tpu.memref_slice %arg2[%dma_wait3A_926, %dma_wait3A_927] : memref<10000x128xf32, #tpu.memory_space<hbm>> -> memref<10000x128xf32, #tpu.memory_space<hbm>>
      tpu.wait_indirect_dma semaphore(%arg11 : memref<!tpu.dma_semaphore, #tpu.memory_space<semaphore_mem>>) src(%dma_wait3A_928 : memref<10000x128xf32, #tpu.memory_space<hbm>>) dst(%dma_wait3A_923 : memref<128x128xf32, #tpu.memory_space<vmem>>)
      %dma_start3A_929 = arith.constant 0 : i32
      %dma_start3A_930 = arith.constant 15 : i32
      %dma_start3A_931 = arith.constant 0 : i32
      %dma_start3A_932 = arith.constant 0 : i32
      %dma_start3A_933 = tpu.memref_slice %arg9[%dma_start3A_929, %dma_start3A_931, %dma_start3A_932] : memref<2x128x128xf32, #tpu.memory_space<vmem>> -> memref<1x128x128xf32, #tpu.memory_space<vmem>>
      %dma_start3A_934 = tpu.memref_squeeze %dma_start3A_933 : memref<1x128x128xf32, #tpu.memory_space<vmem>> -> memref<128x128xf32, #tpu.memory_space<vmem>>
      %dma_start3A_935 = arith.constant 0 : i32
      %dma_start3A_936 = tpu.memref_slice %arg8[%dma_start3A_930, %dma_start3A_935] : memref<16x128xi32, #tpu.memory_space<vmem>> -> memref<1x128xi32, #tpu.memory_space<vmem>>
      %dma_start3A_937 = tpu.memref_squeeze %dma_start3A_936 : memref<1x128xi32, #tpu.memory_space<vmem>> -> memref<128xi32, #tpu.memory_space<vmem>>
      %dma_start3A_938 = arith.constant 0 : i32
      %dma_start3A_939 = arith.constant 0 : i32
      %dma_start3A_940 = tpu.memref_slice %arg10[%dma_start3A_938, %dma_start3A_939] : memref<10240x128xf32, #tpu.memory_space<vmem_shared>> -> memref<10240x128xf32, #tpu.memory_space<vmem_shared>>
      tpu.enqueue_indirect_dma source(%dma_start3A_934 : memref<128x128xf32, #tpu.memory_space<vmem>>) target(%dma_start3A_940 : memref<10240x128xf32, #tpu.memory_space<vmem_shared>>) offsets(%dma_start3A_937 : memref<128xi32, #tpu.memory_space<vmem>>) semaphore(%arg13 : memref<!tpu.dma_semaphore, #tpu.memory_space<semaphore_mem>>) {add = true}
      %dma_wait3A_941 = arith.constant 0 : i32
      %dma_wait3A_942 = arith.constant 0 : i32
      %dma_wait3A_943 = arith.constant 0 : i32
      %dma_wait3A_944 = arith.constant 0 : i32
      %dma_wait3A_945 = tpu.memref_slice %arg9[%dma_wait3A_941, %dma_wait3A_943, %dma_wait3A_944] : memref<2x128x128xf32, #tpu.memory_space<vmem>> -> memref<1x128x128xf32, #tpu.memory_space<vmem>>
      %dma_wait3A_946 = tpu.memref_squeeze %dma_wait3A_945 : memref<1x128x128xf32, #tpu.memory_space<vmem>> -> memref<128x128xf32, #tpu.memory_space<vmem>>
      %dma_wait3A_947 = arith.constant 0 : i32
      %dma_wait3A_948 = tpu.memref_slice %arg8[%dma_wait3A_942, %dma_wait3A_947] : memref<16x128xi32, #tpu.memory_space<vmem>> -> memref<1x128xi32, #tpu.memory_space<vmem>>
      %dma_wait3A_949 = tpu.memref_squeeze %dma_wait3A_948 : memref<1x128xi32, #tpu.memory_space<vmem>> -> memref<128xi32, #tpu.memory_space<vmem>>
      %dma_wait3A_950 = arith.constant 0 : i32
      %dma_wait3A_951 = arith.constant 0 : i32
      %dma_wait3A_952 = tpu.memref_slice %arg10[%dma_wait3A_950, %dma_wait3A_951] : memref<10240x128xf32, #tpu.memory_space<vmem_shared>> -> memref<10240x128xf32, #tpu.memory_space<vmem_shared>>
      tpu.wait_indirect_dma semaphore(%arg13 : memref<!tpu.dma_semaphore, #tpu.memory_space<semaphore_mem>>) src(%dma_wait3A_946 : memref<128x128xf32, #tpu.memory_space<vmem>>) dst(%dma_wait3A_952 : memref<10240x128xf32, #tpu.memory_space<vmem_shared>>)
      %add3A_953 = arith.constant 2 : i32
      %add3A_954 = arith.addi %add3A_539, %add3A_953 : i32
      %min3A_955 = arith.constant 9 : i32
      %min3A_956 = arith.minsi %add3A_954, %min3A_955 : i32
      %mul3A_957 = arith.constant 8 : i32
      %mul3A_958 = arith.muli %min3A_956, %mul3A_957 : i32
      %dma_start3A_959 = arith.constant 8 : i32
      %dma_start3A_960 = arith.constant 0 : i32
      %dma_start3A_961 = tpu.memref_slice %arg8[%dma_start3A_959, %dma_start3A_960] : memref<16x128xi32, #tpu.memory_space<vmem>> -> memref<8x128xi32, #tpu.memory_space<vmem>>
      %dma_start3A_962 = arith.constant 0 : i32
      %dma_start3A_963 = arith.constant 0 : i32
      %dma_start3A_964 = tpu.memref_slice %arg4[%add3A, %dma_start3A_962, %dma_start3A_963] : memref<32x80x128xi32, #tpu.memory_space<hbm>> -> memref<1x80x128xi32, #tpu.memory_space<hbm>>
      %dma_start3A_965 = tpu.memref_squeeze %dma_start3A_964 : memref<1x80x128xi32, #tpu.memory_space<hbm>> -> memref<80x128xi32, #tpu.memory_space<hbm>>
      %dma_start3A_966 = arith.constant 0 : i32
      %dma_start3A_967 = tpu.memref_slice %dma_start3A_965[%mul3A_958, %dma_start3A_966] : memref<80x128xi32, #tpu.memory_space<hbm>> -> memref<8x128xi32, #tpu.memory_space<hbm>>
      %dma_start3A_968 = arith.constant 8 : i32
      %dma_start3A_969 = arith.constant 0 : i32
      %dma_start3A_970 = tpu.memref_slice %arg8[%dma_start3A_968, %dma_start3A_969] : memref<16x128xi32, #tpu.memory_space<vmem>> -> memref<8x128xi32, #tpu.memory_space<vmem>>
      %dma_start3A_971 = arith.constant 0 : i32
      %dma_start3A_972 = arith.constant 0 : i32
      %dma_start3A_973 = tpu.memref_slice %arg4[%add3A, %dma_start3A_971, %dma_start3A_972] : memref<32x80x128xi32, #tpu.memory_space<hbm>> -> memref<1x80x128xi32, #tpu.memory_space<hbm>>
      %dma_start3A_974 = tpu.memref_squeeze %dma_start3A_973 : memref<1x80x128xi32, #tpu.memory_space<hbm>> -> memref<80x128xi32, #tpu.memory_space<hbm>>
      %dma_start3A_975 = arith.constant 0 : i32
      %dma_start3A_976 = tpu.memref_slice %dma_start3A_974[%mul3A_958, %dma_start3A_975] : memref<80x128xi32, #tpu.memory_space<hbm>> -> memref<8x128xi32, #tpu.memory_space<hbm>>
      tpu.enqueue_dma source(%dma_start3A_976 : memref<8x128xi32, #tpu.memory_space<hbm>>) target(%dma_start3A_970 : memref<8x128xi32, #tpu.memory_space<vmem>>) target_semaphore(%arg16 : memref<!tpu.dma_semaphore, #tpu.memory_space<semaphore_mem>>)
    }
    %scan3A_48 = arith.constant 5 : i32
    %dma_wait3A = arith.constant 0 : i32
    %dma_wait3A_49 = arith.constant 0 : i32
    %dma_wait3A_50 = arith.constant 0 : i32
    %dma_wait3A_51 = tpu.memref_slice %arg8[%dma_wait3A_49, %dma_wait3A_50] : memref<16x128xi32, #tpu.memory_space<vmem>> -> memref<8x128xi32, #tpu.memory_space<vmem>>
    %dma_wait3A_52 = arith.constant 0 : i32
    %dma_wait3A_53 = arith.constant 0 : i32
    %dma_wait3A_54 = tpu.memref_slice %arg4[%dma_wait3A, %dma_wait3A_52, %dma_wait3A_53] : memref<32x80x128xi32, #tpu.memory_space<hbm>> -> memref<1x80x128xi32, #tpu.memory_space<hbm>>
    %dma_wait3A_55 = tpu.memref_squeeze %dma_wait3A_54 : memref<1x80x128xi32, #tpu.memory_space<hbm>> -> memref<80x128xi32, #tpu.memory_space<hbm>>
    %dma_wait3A_56 = arith.constant 0 : i32
    %dma_wait3A_57 = arith.constant 0 : i32
    %dma_wait3A_58 = tpu.memref_slice %dma_wait3A_55[%dma_wait3A_56, %dma_wait3A_57] : memref<80x128xi32, #tpu.memory_space<hbm>> -> memref<8x128xi32, #tpu.memory_space<hbm>>
    %dma_wait3A_59 = arith.constant 0 : i32
    %dma_wait3A_60 = arith.constant 0 : i32
    %dma_wait3A_61 = tpu.memref_slice %arg8[%dma_wait3A_59, %dma_wait3A_60] : memref<16x128xi32, #tpu.memory_space<vmem>> -> memref<8x128xi32, #tpu.memory_space<vmem>>
    %dma_wait3A_62 = arith.constant 0 : i32
    %dma_wait3A_63 = arith.constant 0 : i32
    %dma_wait3A_64 = tpu.memref_slice %arg4[%dma_wait3A, %dma_wait3A_62, %dma_wait3A_63] : memref<32x80x128xi32, #tpu.memory_space<hbm>> -> memref<1x80x128xi32, #tpu.memory_space<hbm>>
    %dma_wait3A_65 = tpu.memref_squeeze %dma_wait3A_64 : memref<1x80x128xi32, #tpu.memory_space<hbm>> -> memref<80x128xi32, #tpu.memory_space<hbm>>
    %dma_wait3A_66 = arith.constant 0 : i32
    %dma_wait3A_67 = arith.constant 0 : i32
    %dma_wait3A_68 = tpu.memref_slice %dma_wait3A_65[%dma_wait3A_66, %dma_wait3A_67] : memref<80x128xi32, #tpu.memory_space<hbm>> -> memref<8x128xi32, #tpu.memory_space<hbm>>
    tpu.wait_dma2 semaphore(%arg15 : memref<!tpu.dma_semaphore, #tpu.memory_space<semaphore_mem>>) src(%dma_wait3A_68 : memref<8x128xi32, #tpu.memory_space<hbm>>) dst(%dma_wait3A_61 : memref<8x128xi32, #tpu.memory_space<vmem>>)
    %dma_wait3A_69 = arith.constant 0 : i32
    %dma_wait3A_70 = arith.constant 8 : i32
    %dma_wait3A_71 = arith.constant 0 : i32
    %dma_wait3A_72 = tpu.memref_slice %arg8[%dma_wait3A_70, %dma_wait3A_71] : memref<16x128xi32, #tpu.memory_space<vmem>> -> memref<8x128xi32, #tpu.memory_space<vmem>>
    %dma_wait3A_73 = arith.constant 0 : i32
    %dma_wait3A_74 = arith.constant 0 : i32
    %dma_wait3A_75 = tpu.memref_slice %arg4[%dma_wait3A_69, %dma_wait3A_73, %dma_wait3A_74] : memref<32x80x128xi32, #tpu.memory_space<hbm>> -> memref<1x80x128xi32, #tpu.memory_space<hbm>>
    %dma_wait3A_76 = tpu.memref_squeeze %dma_wait3A_75 : memref<1x80x128xi32, #tpu.memory_space<hbm>> -> memref<80x128xi32, #tpu.memory_space<hbm>>
    %dma_wait3A_77 = arith.constant 0 : i32
    %dma_wait3A_78 = arith.constant 0 : i32
    %dma_wait3A_79 = tpu.memref_slice %dma_wait3A_76[%dma_wait3A_77, %dma_wait3A_78] : memref<80x128xi32, #tpu.memory_space<hbm>> -> memref<8x128xi32, #tpu.memory_space<hbm>>
    %dma_wait3A_80 = arith.constant 8 : i32
    %dma_wait3A_81 = arith.constant 0 : i32
    %dma_wait3A_82 = tpu.memref_slice %arg8[%dma_wait3A_80, %dma_wait3A_81] : memref<16x128xi32, #tpu.memory_space<vmem>> -> memref<8x128xi32, #tpu.memory_space<vmem>>
    %dma_wait3A_83 = arith.constant 0 : i32
    %dma_wait3A_84 = arith.constant 0 : i32
    %dma_wait3A_85 = tpu.memref_slice %arg4[%dma_wait3A_69, %dma_wait3A_83, %dma_wait3A_84] : memref<32x80x128xi32, #tpu.memory_space<hbm>> -> memref<1x80x128xi32, #tpu.memory_space<hbm>>
    %dma_wait3A_86 = tpu.memref_squeeze %dma_wait3A_85 : memref<1x80x128xi32, #tpu.memory_space<hbm>> -> memref<80x128xi32, #tpu.memory_space<hbm>>
    %dma_wait3A_87 = arith.constant 0 : i32
    %dma_wait3A_88 = arith.constant 0 : i32
    %dma_wait3A_89 = tpu.memref_slice %dma_wait3A_86[%dma_wait3A_87, %dma_wait3A_88] : memref<80x128xi32, #tpu.memory_space<hbm>> -> memref<8x128xi32, #tpu.memory_space<hbm>>
    tpu.wait_dma2 semaphore(%arg16 : memref<!tpu.dma_semaphore, #tpu.memory_space<semaphore_mem>>) src(%dma_wait3A_89 : memref<8x128xi32, #tpu.memory_space<hbm>>) dst(%dma_wait3A_82 : memref<8x128xi32, #tpu.memory_space<vmem>>)
    %barrier3A_90 = arith.constant 0 : index
    tpu.barrier barrier_id(%barrier3A_90)
    %mul3A_91 = arith.constant 640 : i32
    %mul3A_92 = arith.muli %arg1, %mul3A_91 : i32
    %mul3A_93 = arith.constant 640 : i32
    %mul3A_94 = arith.muli %arg1, %mul3A_93 : i32
    "tpu.region"() ({
      %run_scoped3A = tpu.sem_alloc : memref<!tpu.dma_semaphore, #tpu.memory_space<semaphore_mem>>
      %dma_start3A_95 = arith.constant 0 : i32
      %dma_start3A_96 = arith.constant 0 : i32
      %dma_start3A_97 = tpu.memref_slice %arg6[%arg0, %dma_start3A_95, %dma_start3A_96] : memref<2x10240x128xf32, #tpu.memory_space<hbm>> -> memref<1x10240x128xf32, #tpu.memory_space<hbm>>
      %dma_start3A_98 = tpu.memref_squeeze %dma_start3A_97 : memref<1x10240x128xf32, #tpu.memory_space<hbm>> -> memref<10240x128xf32, #tpu.memory_space<hbm>>
      %dma_start3A_99 = arith.constant 0 : i32
      %dma_start3A_100 = tpu.memref_slice %dma_start3A_98[%mul3A_94, %dma_start3A_99] : memref<10240x128xf32, #tpu.memory_space<hbm>> -> memref<640x128xf32, #tpu.memory_space<hbm>>
      %dma_start3A_101 = arith.constant 0 : i32
      %dma_start3A_102 = tpu.memref_slice %arg10[%mul3A_92, %dma_start3A_101] : memref<10240x128xf32, #tpu.memory_space<vmem_shared>> -> memref<640x128xf32, #tpu.memory_space<vmem_shared>>
      tpu.enqueue_dma source(%dma_start3A_102 : memref<640x128xf32, #tpu.memory_space<vmem_shared>>) target(%dma_start3A_100 : memref<640x128xf32, #tpu.memory_space<hbm>>) target_semaphore(%run_scoped3A : memref<!tpu.dma_semaphore, #tpu.memory_space<semaphore_mem>>)
      %dma_wait3A_103 = arith.constant 0 : i32
      %dma_wait3A_104 = arith.constant 0 : i32
      %dma_wait3A_105 = tpu.memref_slice %arg6[%arg0, %dma_wait3A_103, %dma_wait3A_104] : memref<2x10240x128xf32, #tpu.memory_space<hbm>> -> memref<1x10240x128xf32, #tpu.memory_space<hbm>>
      %dma_wait3A_106 = tpu.memref_squeeze %dma_wait3A_105 : memref<1x10240x128xf32, #tpu.memory_space<hbm>> -> memref<10240x128xf32, #tpu.memory_space<hbm>>
      %dma_wait3A_107 = arith.constant 0 : i32
      %dma_wait3A_108 = tpu.memref_slice %dma_wait3A_106[%mul3A_94, %dma_wait3A_107] : memref<10240x128xf32, #tpu.memory_space<hbm>> -> memref<640x128xf32, #tpu.memory_space<hbm>>
      %dma_wait3A_109 = arith.constant 0 : i32
      %dma_wait3A_110 = tpu.memref_slice %arg10[%mul3A_92, %dma_wait3A_109] : memref<10240x128xf32, #tpu.memory_space<vmem_shared>> -> memref<640x128xf32, #tpu.memory_space<vmem_shared>>
      tpu.wait_dma2 semaphore(%run_scoped3A : memref<!tpu.dma_semaphore, #tpu.memory_space<semaphore_mem>>) src(%dma_wait3A_110 : memref<640x128xf32, #tpu.memory_space<vmem_shared>>) dst(%dma_wait3A_108 : memref<640x128xf32, #tpu.memory_space<hbm>>)
      tpu.yield
    }) : () -> ()
    return
  }
}

module attributes {stable_mosaic.version = 14 : i64} {
  func.func @_tc_body(%arg0: i32, %arg1: memref<400x128xf32, #tpu.memory_space<vmem>>, %arg2: memref<400x128xf32, #tpu.memory_space<vmem>>, %arg3: memref<400x128xf32, #tpu.memory_space<vmem>>, %arg4: memref<128x128xf32, #tpu.memory_space<vmem>>, %arg5: memref<1x128xf32, #tpu.memory_space<vmem>>, %arg6: memref<128x128xf32, #tpu.memory_space<vmem>>, %arg7: memref<1x128xf32, #tpu.memory_space<vmem>>, %arg8: memref<400x128xf32, #tpu.memory_space<vmem>>) attributes {dimension_semantics = [#tpu.dimension_semantics<arbitrary>], iteration_bounds = array<i64: 25>, scalar_prefetch = 0 : i64, scratch_operands = 0 : i64, tpu.core_type = #tpu.core_type<tc>, window_params = [{transform_indices = @transform_0, window_bounds = array<i64: 400, 128>}, {transform_indices = @transform_1, window_bounds = array<i64: 400, 128>}, {transform_indices = @transform_2, window_bounds = array<i64: 400, 128>}, {pipeline_mode = #tpu.pipeline_mode<synchronous>, transform_indices = @transform_3, window_bounds = array<i64: 128, 128>}, {pipeline_mode = #tpu.pipeline_mode<synchronous>, transform_indices = @transform_4, window_bounds = array<i64: 1, 128>}, {pipeline_mode = #tpu.pipeline_mode<synchronous>, transform_indices = @transform_5, window_bounds = array<i64: 128, 128>}, {pipeline_mode = #tpu.pipeline_mode<synchronous>, transform_indices = @transform_6, window_bounds = array<i64: 1, 128>}, {transform_indices = @transform_7, window_bounds = array<i64: 400, 128>}]} {
    %get3A = arith.constant 0 : index
    %get3A_0 = arith.constant 0 : index
    %get3A_1 = vector.load %arg1[%get3A, %get3A_0] : memref<400x128xf32, #tpu.memory_space<vmem>>, vector<400x128xf32>
    %get3A_2 = arith.constant 0 : index
    %get3A_3 = arith.constant 0 : index
    %get3A_4 = vector.load %arg2[%get3A_2, %get3A_3] : memref<400x128xf32, #tpu.memory_space<vmem>>, vector<400x128xf32>
    %add3A = arith.addf %get3A_1, %get3A_4 : vector<400x128xf32>
    %get3A_5 = arith.constant 0 : index
    %get3A_6 = arith.constant 0 : index
    %get3A_7 = vector.load %arg3[%get3A_5, %get3A_6] : memref<400x128xf32, #tpu.memory_space<vmem>>, vector<400x128xf32>
    %add3A_8 = arith.addf %add3A, %get3A_7 : vector<400x128xf32>
    %get3A_9 = arith.constant 0 : index
    %get3A_10 = arith.constant 0 : index
    %get3A_11 = vector.load %arg4[%get3A_9, %get3A_10] : memref<128x128xf32, #tpu.memory_space<vmem>>, vector<128x128xf32>
    %dot_general3A = arith.constant dense<0.000000e+00> : vector<400x128xf32>
    %dot_general3A_12 = tpu.matmul %add3A_8, %get3A_11, %dot_general3A {dimension_numbers = #tpu.dot_dimension_numbers<[1], [0], [0], [1], [0, 0, 1, 1], [], []>, transpose_lhs_hint = false} : vector<400x128xf32>, vector<128x128xf32>, vector<400x128xf32> -> vector<400x128xf32>
    %get3A_13 = arith.constant 0 : index
    %get3A_14 = arith.constant 0 : index
    %get3A_15 = vector.load %arg5[%get3A_13, %get3A_14] : memref<1x128xf32, #tpu.memory_space<vmem>>, vector<1x128xf32>
    %add3A_16 = vector.broadcast %get3A_15 : vector<1x128xf32> to vector<400x128xf32>
    %add3A_17 = arith.addf %dot_general3A_12, %add3A_16 : vector<400x128xf32>
    %max3A = arith.constant 0.000000e+00 : f32
    %max3A_18 = vector.broadcast %max3A : f32 to vector<400x128xf32>
    %max3A_19 = arith.maximumf %add3A_17, %max3A_18 : vector<400x128xf32>
    %get3A_20 = arith.constant 0 : index
    %get3A_21 = arith.constant 0 : index
    %get3A_22 = vector.load %arg6[%get3A_20, %get3A_21] : memref<128x128xf32, #tpu.memory_space<vmem>>, vector<128x128xf32>
    %dot_general3A_23 = arith.constant dense<0.000000e+00> : vector<400x128xf32>
    %dot_general3A_24 = tpu.matmul %max3A_19, %get3A_22, %dot_general3A_23 {dimension_numbers = #tpu.dot_dimension_numbers<[1], [0], [0], [1], [0, 0, 1, 1], [], []>, transpose_lhs_hint = false} : vector<400x128xf32>, vector<128x128xf32>, vector<400x128xf32> -> vector<400x128xf32>
    %get3A_25 = arith.constant 0 : index
    %get3A_26 = arith.constant 0 : index
    %get3A_27 = vector.load %arg7[%get3A_25, %get3A_26] : memref<1x128xf32, #tpu.memory_space<vmem>>, vector<1x128xf32>
    %add3A_28 = vector.broadcast %get3A_27 : vector<1x128xf32> to vector<400x128xf32>
    %add3A_29 = arith.addf %dot_general3A_24, %add3A_28 : vector<400x128xf32>
    %add3A_30 = arith.addf %add3A_29, %get3A_1 : vector<400x128xf32>
    %swap3A = arith.constant 0 : index
    %swap3A_31 = arith.constant 0 : index
    %swap3A_32 = vector.load %arg8[%swap3A, %swap3A_31] : memref<400x128xf32, #tpu.memory_space<vmem>>, vector<400x128xf32>
    tpu.vector_store %arg8[%swap3A, %swap3A_31], %add3A_30 {strides = array<i32>} : memref<400x128xf32, #tpu.memory_space<vmem>>, vector<400x128xf32>,
    return
  }
  func.func @transform_0(%arg0: i32) -> (i32, i32) {
    %c0_i32 = arith.constant 0 : i32
    %c0_i32_0 = arith.constant 0 : i32
    return %arg0, %c0_i32 : i32, i32
  }
  func.func @transform_1(%arg0: i32) -> (i32, i32) {
    %c0_i32 = arith.constant 0 : i32
    %c0_i32_0 = arith.constant 0 : i32
    return %arg0, %c0_i32 : i32, i32
  }
  func.func @transform_2(%arg0: i32) -> (i32, i32) {
    %c0_i32 = arith.constant 0 : i32
    %c0_i32_0 = arith.constant 0 : i32
    return %arg0, %c0_i32 : i32, i32
  }
  func.func @transform_3(%arg0: i32) -> (i32, i32) {
    %c0_i32 = arith.constant 0 : i32
    %c0_i32_0 = arith.constant 0 : i32
    %c0_i32_1 = arith.constant 0 : i32
    return %c0_i32, %c0_i32_0 : i32, i32
  }
  func.func @transform_4(%arg0: i32) -> (i32, i32) {
    %c0_i32 = arith.constant 0 : i32
    %c0_i32_0 = arith.constant 0 : i32
    %c0_i32_1 = arith.constant 0 : i32
    return %c0_i32, %c0_i32_0 : i32, i32
  }
  func.func @transform_5(%arg0: i32) -> (i32, i32) {
    %c0_i32 = arith.constant 0 : i32
    %c0_i32_0 = arith.constant 0 : i32
    %c0_i32_1 = arith.constant 0 : i32
    return %c0_i32, %c0_i32_0 : i32, i32
  }
  func.func @transform_6(%arg0: i32) -> (i32, i32) {
    %c0_i32 = arith.constant 0 : i32
    %c0_i32_0 = arith.constant 0 : i32
    %c0_i32_1 = arith.constant 0 : i32
    return %c0_i32, %c0_i32_0 : i32, i32
  }
  func.func @transform_7(%arg0: i32) -> (i32, i32) {
    %c0_i32 = arith.constant 0 : i32
    %c0_i32_0 = arith.constant 0 : i32
    return %arg0, %c0_i32 : i32, i32
  }
}

</mosaic_0001>

<sc_bundles>
// kernel: kernel.4.cloned.1.call-start
scs
__scs_entry_jumppad:
0x0: {  	(pc) =	sbr.rel $0x88, $3  }
0x1: {  	(tag) =	ssettag $0x0;
	lr =	simm.s32 $0x1  }
0x2: {  	[smem:$0x3F97] =	sst lr;
	_ =	strace $0xD0000000  }
0x3: {  	_ = 	snop  }
0x4: {  	_ = 	snop  }
0x5: {  	_ = 	snop  }
0x6: {  	_ = 	snop  }
0x7: {  	_ = 	snop  }
__scs_overlays_trampoline_lowered:
0x8: {  	[smem:$0x3FA6] =	sst s0  }
0x9: {  	[smem:$0x3FA7] =	sst s1  }
0xa: {  	[smem:$0x3FA8] =	sst s2  }
0xb: {  	[smem:$0x3FA9] =	sst s3  }
0xc: {  	[smem:$0x3FAA] =	sst s4  }
0xd: {  	[smem:$0x3FAB] =	sst s5  }
0xe: {  	[smem:$0x3FAC] =	sst s6  }
0xf: {  	[smem:$0x3FAD] =	sst s7  }
0x10: {  	[smem:$0x3FAE] =	sst s8  }
0x11: {  	[smem:$0x3FAF] =	sst s9;
	s0 =	simm.s32 @!p0 $0x0  }
0x12: {  	s1 =	sld [smem:$0x3F95];
	s0 =	simm.s32 @p0 $0x1  }
0x13: {  	[smem:$0x3FB0] =	sst s0;
	s0 =	simm.s32 @!p1 $0x0  }
0x14: {  	s2 =	sld [smem:$0x3F94];
	s0 =	simm.s32 @p1 $0x1  }
0x15: {  	[smem:$0x3FB1] =	sst s0;
	s0 =	simm.s32 @!p2 $0x0  }
0x16: {  	s3 =	sld [smem:$0x3FDB];
	s0 =	simm.s32 @p2 $0x1  }
0x17: {  	s4 =	simm.s32 $0x1BF5;
	[smem:$0x3FB3] =	sst s0  }
0x18: {  	s0 =	sld [smem:$0x3F96];
	_ =	swait.ge [sflag:s4], $0x0  }
0x19: {  	s7 =	sld [smem:$0x3F97]  }
0x1a: {  	s8 =	sadd.s32 $0xFFFFE003, lr  }
0x1b: {  	s9 =	sadd.s32 $0xFFFFFEF7, lr;
	s5 =	simm.s32 $0xFFFFFFFF;
	p2 =	slt.u32 s8, $0xFFFFF086  }
0x1c: {  	p1 =	slt.u32 s9, $0xF7A;
	s5 =	simm.s32 @!p2 $0x0  }
0x1d: {  	s5 =	simm.s32 @p1 $0x1;
	p0 =	seq.s32 s7, s2  }
0x1e: {  	s7 =	smul.u32 @!p0 $0xF7A, s2;
	p2 =	seq.s32 @!p0 s5, $0x0  }
0x1f: {  	s9 =	smul.u32 $0xF7A, s1;
	s8 =	simm.s32 @!p0 $0x1BF5;
	p2 =	por !p2, p0  }
0x20: {  	[sflag:s8] =	ssyncset.s32 @!p0 $0xFFFFF086;
	s6 =	sadd.s32 @!p0 s3, s7;
	s7 =	simm.s32 @!p0 $0x108  }
0x21: {  	s3 =	sadd.s32 s3, s9;
	s6 =	sadd.s32 @!p0 $0x88, s6;
	s7 =	simm.s32 @p2 $0x1082  }
0x22: {  	[simem:s7], [sflag:s8] =	dma.local @!p0 [hbm:s6], $0xF7A  }
0x23: {  	s9 =	sor.u32 $0xD0000000, s2;
	s6 =	simm.s32 $0x108;
	_ =	swait.ge @!p0 [sflag:s8], $0x0  }
0x24: {  	s3 =	sadd.s32 $0x88, s3;
	s6 =	simm.s32 @!p1 $0x1082;
	[sflag:s4] =	ssyncset.s32 $0xFFFFF086  }
0x25: {  	[simem:s6], [sflag:s4] =	dma.local [hbm:s3], $0xF7A  }
0x26: {  	[smem:$0x3F97] =	sst s1;
	(tag) =	ssettag s2;
	_ =	strace s9  }
0x27: {  	s1 =	sld [smem:$0x3FA7]  }
0x28: {  	s2 =	sld [smem:$0x3FA8]  }
0x29: {  	s4 =	sld [smem:$0x3FAA]  }
0x2a: {  	p0 =	seq.s32 s5, $0x0;
	s5 =	sld [smem:$0x3FAB]  }
0x2b: {  	s6 =	sld [smem:$0x3FAC]  }
0x2c: {  	s7 =	sld [smem:$0x3FAD]  }
0x2d: {  	s3 =	simm.s32 $0x108;
	s8 =	sld [smem:$0x3FAE]  }
0x2e: {  	s3 =	simm.s32 @!p0 $0x1082;
	s9 =	sld [smem:$0x3FAF]  }
0x2f: {  	lr =	sadd.s32 s0, s3;
	s0 =	sld [smem:$0x3FA6]  }
0x30: {  	s3 =	sld [smem:$0x3FA9]  }
0x31: {  	[smem:$0x3FB2] =	sst s10  }
0x32: {  	s10 =	sld [smem:$0x3FB0];
	_ =	sdelay $0x3  }
0x33: {  	p0 =	seq.s32 s10, $0x1;
	s10 =	sld [smem:$0x3FB2];
	_ =	sdelay $0x3  }
0x34: {  	[smem:$0x3FB2] =	sst s10  }
0x35: {  	s10 =	sld [smem:$0x3FB1];
	_ =	sdelay $0x3  }
0x36: {  	p1 =	seq.s32 s10, $0x1;
	s10 =	sld [smem:$0x3FB2];
	_ =	sdelay $0x3  }
0x37: {  	[smem:$0x3FB2] =	sst s10  }
0x38: {  	s10 =	sld [smem:$0x3FB3]  }
0x39: {  	_ = 	snop;
	(pc) =	sbr.ind lr, $3  }
0x3a: {  	_ = 	snop  }
0x3b: {  	_ = 	snop  }
0x3c: {  	p2 =	seq.s32 s10, $0x1;
	s10 =	sld [smem:$0x3FB2]  }
0x3d: {  	_ =	shalt  }
0x3e: {  	_ =	shalt  }
0x3f: {  	_ =	shalt  }
0x40: {  	_ =	shalt  }
0x41: {  	_ =	shalt  }
0x42: {  	_ =	shalt  }
0x43: {  	_ =	shalt  }
0x44: {  	_ =	shalt  }
0x45: {  	_ =	shalt  }
0x46: {  	_ =	shalt  }
0x47: {  	_ =	shalt  }
0x48: {  	_ =	shalt  }
0x49: {  	_ =	shalt  }
0x4a: {  	_ =	shalt  }
0x4b: {  	_ =	shalt  }
0x4c: {  	_ =	shalt  }
0x4d: {  	_ =	shalt  }
0x4e: {  	_ =	shalt  }
0x4f: {  	_ =	shalt  }
0x50: {  	_ =	shalt  }
0x51: {  	_ =	shalt  }
0x52: {  	_ =	shalt  }
0x53: {  	_ =	shalt  }
0x54: {  	_ =	shalt  }
0x55: {  	_ =	shalt  }
0x56: {  	_ =	shalt  }
0x57: {  	_ =	shalt  }
0x58: {  	_ =	shalt  }
0x59: {  	_ =	shalt  }
0x5a: {  	_ =	shalt  }
0x5b: {  	_ =	shalt  }
0x5c: {  	_ =	shalt  }
0x5d: {  	_ =	shalt  }
0x5e: {  	_ =	shalt  }
0x5f: {  	_ =	shalt  }
0x60: {  	_ =	shalt  }
0x61: {  	_ =	shalt  }
0x62: {  	_ =	shalt  }
0x63: {  	_ =	shalt  }
0x64: {  	_ =	shalt  }
0x65: {  	_ =	shalt  }
0x66: {  	_ =	shalt  }
0x67: {  	_ =	shalt  }
0x68: {  	_ =	shalt  }
0x69: {  	_ =	shalt  }
0x6a: {  	_ =	shalt  }
0x6b: {  	_ =	shalt  }
0x6c: {  	_ =	shalt  }
0x6d: {  	_ =	shalt  }
0x6e: {  	_ =	shalt  }
0x6f: {  	_ =	shalt  }
0x70: {  	_ =	shalt  }
0x71: {  	_ =	shalt  }
0x72: {  	_ =	shalt  }
0x73: {  	_ =	shalt  }
0x74: {  	_ =	shalt  }
0x75: {  	_ =	shalt  }
0x76: {  	_ =	shalt  }
0x77: {  	_ =	shalt  }
0x78: {  	_ =	shalt  }
0x79: {  	_ =	shalt  }
0x7a: {  	_ =	shalt  }
0x7b: {  	_ =	shalt  }
0x7c: {  	_ =	shalt  }
0x7d: {  	_ =	shalt  }
0x7e: {  	_ =	shalt  }
0x7f: {  	_ =	shalt  }
0x80: {  	_ =	shalt  }
0x81: {  	_ =	shalt  }
0x82: {  	_ =	shalt  }
0x83: {  	_ =	shalt  }
0x84: {  	_ =	shalt  }
0x85: {  	_ =	shalt  }
0x86: {  	_ =	shalt  }
0x87: {  	_ =	shalt  }
.Lfunc_end0:
.L_simem_size_0:
called_computation_lowered:
.L_overlay_start_0:
0x88: {  	s2 =	sld [smem:$0x3FD9]  }
0x89: {  	s3 =	sld [smem:$0x3FFE];
	_ =	sdelay $0x1  }
0x8a: {  	s1 =	srdreg.scid  }
0x8b: {  	s0 =	sand.u32 $0x1, s1  }
0x8c: {  	s17 =	sshll.u32 s0, $0xA;
	s2 =	sadd.s32 s3, s2  }
0x8d: {  	s2 =	sadd.s32 s2, s17  }
0x8e: {  	[smem:$0x3FBE] =	sst s2  }
0x8f: {  	_ = 	snop  }
0x90: {  	s2 =	sld [smem:$0x3FC9]  }
0x91: {  	s18 =	sld [smem:$0x3FD0];
	(tm) =	ssettm $0x1  }
0x92: {  	s4 =	sld [smem:$0x3FFB];
	_ =	sdelay $0x3  }
0x93: {  	_ =	strace s4  }
0x94: {  	s4 =	sld [smem:$0x3FFC];
	_ =	sdelay $0x3  }
0x95: {  	_ =	strace s4  }
0x96: {  	s4 =	sld [smem:$0x3FFD];
	_ =	sdelay $0x3  }
0x97: {  	_ =	strace s4  }
0x98: {  	_ =	strace $0x8FFFFFFF  }
0x99: {  	s19 =	sld [smem:$0x3FDB];
	_ =	sdelay $0x1  }
0x9a: {  	s5 =	simm.s32 $_scs_section_size  }
0x9b: {  	s6 =	simm.s32 $_size__tile_overlayer_lowered;
	s7 =	simm.s32 $_tile_overlayer_lowered  }
0x9c: {  	s22 =	simm.s32 $0x1BFF;
	s21 =	sshll.u32 s7, $0x1;
	s4 =	sadd.s32 s5, s19  }
0x9d: {  	s8 =	simm.s32 $0x0;
	s20 =	sshll.u32 s6, $0x1;
	s6 =	sadd.s32 s21, s4  }
0x9e: {  	[timem:s8], [sflag:s22] =	dma.local [hbm:s6], s20  }
0x9f: {  	_ =	swait.ge [sflag:s22], s20  }
0xa0: {  	s5 =	ssub.s32 $0x0, s20;
	[sflag:s22] =	ssyncset.done $0x0  }
0xa1: {  	[sflag:s22] =	ssyncadd.s32 s5;
	_ =	sdelay $0x1  }
0xa2: {  	s23 =	simm.s32 $0x1B8B  }
0xa3: {  	_ =	swait.ge [sflag:s23], $0x1  }
0xa4: {  	[sflag:s23] =	ssyncset.done $0x0  }
0xa5: {  	s25 =	simm.s32 $0x1B8E;
	s24 =	sld [smem:$0x3FFE];
	[sflag:s23] =	ssyncadd.s32 $0xFFFFFFFF  }
0xa6: {  	s26 =	simm.s32 $execute0_lowered;
	[smem:$0x3FD2] =	sst s25  }
0xa7: {  	s6 =	sshll.u32 s26, $0x1;
	_ =	strace $0x80000046;
	[dreg:$0x1] =	wrdreg $0xFFFFFFFF  }
0xa8: {  	s28 =	simm.s32 $_size_execute0_lowered;
	s4 =	sadd.s32 s4, s6;
	[dreg:$0x0] =	wrdreg $0x0  }
0xa9: {  	s6 =	sshll.u32 s28, $0x1;
	[dreg:$0x2] =	wrdreg s4  }
0xaa: {  	[dreg:$0x3] =	wrdreg s6  }
0xab: {  	[dreg:$0x4] =	wrdreg $0xC0  }
0xac: {  	_ =	task [dreg:s8], $0x5FFFF  }
0xad: {  	[dreg:$0x1] =	wrdreg $0xFFFFFFFF  }
0xae: {  	[dreg:$0x0] =	wrdreg $0x60  }
0xaf: {  	[dreg:$0x2] =	wrdreg s2  }
0xb0: {  	[dreg:$0x3] =	wrdreg s18  }
0xb1: {  	[dreg:$0x4] =	wrdreg s24  }
0xb2: {  	[dreg:$0x5] =	wrdreg $0xB0000  }
0xb3: {  	[dreg:$0x6] =	wrdreg $0x9  }
0xb4: {  	_ =	task.clear_ibuf [dreg:s8], $0x7FFFF;
	_ =	strace $0x90000046  }
0xb5: {  	s29 =	simm.s32 $0x9;
	_ =	strace $0x80000048  }
0xb6: {  	_ =	swait.ge [sflag:s29], $0x1  }
0xb7: {  	[sflag:s29] =	ssyncadd.s32 $0xFFFFFFFF  }
0xb8: {  	_ =	strace $0x90000048  }
0xb9: {  	_ =	sfence  }
0xba: {  	s30 =	sld [smem:$0x0];
	_ =	sdelay $0x2  }
0xbb: {  	s31 =	sshll.u32 s1, $0xD;
	s1 =	sshrl.u32 s1, $0x2  }
0xbc: {  	s3 =	sand.u32 $0x4000, s31;
	s1 =	sadd.s32 s1, s30  }
0xbd: {  	s0 =	sor.u32 s3, s0;
	s1 =	sshll.u32 s1, $0x11  }
0xbe: {  	s0 =	sor.u32 s1, s0  }
0xbf: {  	s0 =	sadd.s32 $0x8F2B, s0  }
0xc0: {  	[sflag:s0] =	ssyncadd.remote.s32 $0x1  }
0xc1: {  	_ =	sfence.sel $0xFFFF  }
0xc2: {  	[dreg:$0x0] =	wrdreg $0xFFFFFFFF;
	(pc) =	sbr.abs _section_cstart, $3  }
0xc3: {  	[dreg:$0x1] =	wrdreg $0xFFFFFFFF  }
0xc4: {  	_ =	task.clear_ibuf [dreg:s8], $0x2FFFF;
	_ =	strace $0x9FFFFFFF  }
0xc5: {  	(tm) =	ssettm $0x7FFFFFFF  }
tec
execute0_lowered:
.L_overlay_start_1:
0x0: {  	(tag) =	ssettag $0x1  }
0x1: {  	s1 =	rddreg [dreg:$0x0]  }
0x2: {  	s8 =	rddreg [dreg:$0x1]  }
0x3: {  	s5 =	rddreg [dreg:$0x2];
	s2 =	srdreg.scid  }
0x4: {  	s0 =	stileid.u32;
	s3 =	rddreg [dreg:$0x3]  }
0x5: {  	s4 =	simm.s32 $0x0;
	s25 =	simm.s32 $0x2880;
	s26 =	simm.s32 $0x2900  }
0x6: {  	s28 =	simm.s32 $0x2980;
	s6 =	sand.u32 $0x1, s2;
	s2 =	rddreg [dreg:$0x4]  }
0x7: {  	s29 =	simm.s32 $0x2A00;
	s30 =	simm.s32 $0x2A80;
	[smem:$0x7FF] =	sst s4  }
0x8: {  	s31 =	simm.s32 $0x2F80;
	_ =	strace $0x80000047;
	[dreg:$0x7] =	wrdreg s25  }
0x9: {  	s7 =	sshll.u32 s0, $0x1;
	s22 =	smul.u32 $0x2800, s0;
	[dreg:$0x8] =	wrdreg s26  }
0xa: {  	s13 =	smul.u32 $0x50000, s0;
	s15 =	sshrl.u32 s0, $0x2;
	[dreg:$0x9] =	wrdreg s28  }
0xb: {  	s19 =	sshll.u32 s0, $0x6;
	s7 =	sor.u32 s6, s7;
	[dreg:$0xa] =	wrdreg s29  }
0xc: {  	s10 =	smul.u32 $0x28000, s6;
	s6 =	ssub.s32 $0x2, s6;
	[dreg:$0xb] =	wrdreg s30  }
0xd: {  	s17 =	smul.u32 $0x14000, s15;
	s15 =	simm.s32 $0x2B00;
	[dreg:$0x14] =	wrdreg s31  }
0xe: {  	s9 =	smul.u32 $0x500, s7;
	s11 =	sadd.s32 s22, s5;
	s12 =	sshrl.u32 s6, $0x1  }
0xf: {  	s16 =	sshrl.u32 s13, $0x2;
	s7 =	sshll.u32 s7, $0x7;
	s13 =	simm.s32 $0x400  }
0x10: {  	[dreg:$0xc] =	wrdreg s15;
	s10 =	sadd.s32 s10, s5;
	s12 =	ssub.s32 s6, s12  }
0x11: {  	s14 =	sadd.s32 s16, s3;
	s18 =	sand.u32 $0x380, s7;
	s7 =	sor.u32 $0x1C05, s19  }
0x12: {  	s16 =	simm.s32 $0x2B80;
	s19 =	simm.s32 $0x2D80;
	s9 =	sadd.s32 s9, s5  }
0x13: {  	s5 =	sadd.s32 $0xB800, s11;
	s20 =	sor.u32 s17, s18;
	s11 =	simm.s32 $0x5  }
0x14: {  	[dreg:$0xd] =	wrdreg s16;
	s17 =	simm.s32 $0x2C80;
	s16 =	simm.s32 $0x2C00  }
0x15: {  	s18 =	simm.s32 $0x2D00;
	[dreg:$0x10] =	wrdreg s19;
	s19 =	simm.s32 $0x1  }
0x16: {  	s6 =	sadd.s32 $0x1800, s9;
	s21 =	sshrl.u32 s20, $0x3;
	s9 =	smax.u32 s12, $0x1  }
0x17: {  	s12 =	simm.s32 $0x80;
	[dreg:$0xe] =	wrdreg s17;
	s17 =	simm.s32 $0x3  }
0x18: {  	[dreg:$0xf] =	wrdreg s18;
	s18 =	simm.s32 $0x3000;
	s20 =	simm.s32 $0x2E00  }
0x19: {  	s23 =	sadd.s32 $0x100, s6;
	s8 =	sadd.s32 s8, s21;
	s24 =	sadd.s32 $0x180, s6  }
0x1a: {  	s15 =	sadd.s32 $0x80, s6;
	[dreg:$0x11] =	wrdreg s20;
	s21 =	simm.s32 $0x2E80  }
0x1b: {  	s20 =	simm.s32 $0x2;
	[dreg:$0x5] =	wrdreg s23;
	s23 =	sadd.s32 $0x33800, s10  }
0x1c: {  	[dreg:$0x6] =	wrdreg s24;
	s10 =	sshrl.u32 s14, $0x3;
	s14 =	simm.s32 $0x2800  }
0x1d: {  	[dreg:$0x12] =	wrdreg s21;
	s24 =	simm.s32 $0x2F00;
	s21 =	simm.s32 $0x4  }
0x1e: {  	[dreg:$0x13] =	wrdreg s24;
	s22 =	sadd.s32 s22, s23;
	s23 =	simm.s32 $0x0  }
.LBB2_1:
0x1f: {  	[spmem:s10], [sflag:s7] =	dma.local [hbm:s5], $0x2800  }
0x20: {  	_ =	swait.ge [sflag:s11], $0x2800  }
0x21: {  	[sflag:s11] =	ssyncset.done $0x0  }
0x22: {  	[sflag:s11] =	ssyncadd.s32 $0xFFFFD800  }
0x23: {  	[tilespmem:s4], [sflag:$0x5] =	stream.strided.gather [hbm4b:s8+s12], $0x2800, s13, s12, $0x38;
	[tilespmem:$0x1F000] =	vst v63  }
0x24: {  	_ =	swait.ge [sflag:s11], $0x2800  }
0x25: {  	[sflag:s11] =	ssyncset.done $0x0  }
0x26: {  	[sflag:s11] =	ssyncadd.s32 $0xFFFFD800  }
0x27: {  	[bflag:$0x0] =	sbarrier.arrive $0xFFFF  }
0x28: {  	[tilespmem:s14], [sflag:$0x3] =	stream.linear.gather [hbm4b:s6+s4], $0x400, $0x38;
	[tilespmem:$0x1F000] =	vst v63  }
0x29: {  	_ = 	snop  }
0x2a: {  	[tilespmem:s16], [sflag:$0x4] =	stream.linear.gather [hbm4b:s15+s4], $0x400, $0x38;
	[tilespmem:$0x1F000] =	vst v63  }
0x2b: {  	_ =	swait.ge [sflag:s17], $0x400  }
0x2c: {  	[sflag:s17] =	ssyncset.done $0x0  }
0x2d: {  	s24 =	simm.s32 $0x0;
	[sflag:s17] =	ssyncadd.s32 $0xFFFFFC00  }
0x2e: {  	[tilespmem:s18], [sflag:$0x1] =	stream.indirect.gather [hbm4b:s1+s12], $0x80, s24, s12, $0xb8;
	[tilespmem:$0x1F000] =	vst v63  }
0x2f: {  	_ =	swait.ge [sflag:s19], $0x4000  }
0x30: {  	[sflag:s19] =	ssyncset.done $0x0  }
0x31: {  	[sflag:s19] =	ssyncadd.s32 $0xFFFFC000  }
0x32: {  	[spmem:s3] =	stream.indirect.scatter.add.f32 [tilespmem:s18], [sflag:$0x2], $0x80, s14, s12, $0xb8;
	[tilespmem:$0x1F000] =	vst v63  }
0x33: {  	_ =	swait.ge [sflag:s20], $0x4000  }
0x34: {  	[sflag:s20] =	ssyncset.done $0x0  }
0x35: {  	s31 =	simm.s32 $0x80;
	[sflag:s20] =	ssyncadd.s32 $0xFFFFC000  }
0x36: {  	[tilespmem:s18], [sflag:$0x1] =	stream.indirect.gather [hbm4b:s1+s12], $0x80, s31, s12, $0xb8;
	[tilespmem:$0x1F000] =	vst v63  }
0x37: {  	_ =	swait.ge [sflag:s19], $0x4000  }
0x38: {  	[sflag:s19] =	ssyncset.done $0x0  }
0x39: {  	s25 =	rddreg [dreg:$0x7];
	[sflag:s19] =	ssyncadd.s32 $0xFFFFC000  }
0x3a: {  	[spmem:s3] =	stream.indirect.scatter.add.f32 [tilespmem:s18], [sflag:$0x2], $0x80, s25, s12, $0xb8;
	[tilespmem:$0x1F000] =	vst v63  }
0x3b: {  	_ =	swait.ge [sflag:s20], $0x4000  }
0x3c: {  	[sflag:s20] =	ssyncset.done $0x0  }
0x3d: {  	s26 =	simm.s32 $0x100;
	[sflag:s20] =	ssyncadd.s32 $0xFFFFC000  }
0x3e: {  	[tilespmem:s18], [sflag:$0x1] =	stream.indirect.gather [hbm4b:s1+s12], $0x80, s26, s12, $0xb8;
	[tilespmem:$0x1F000] =	vst v63  }
0x3f: {  	_ =	swait.ge [sflag:s19], $0x4000  }
0x40: {  	[sflag:s19] =	ssyncset.done $0x0  }
0x41: {  	s28 =	rddreg [dreg:$0x8];
	[sflag:s19] =	ssyncadd.s32 $0xFFFFC000  }
0x42: {  	[spmem:s3] =	stream.indirect.scatter.add.f32 [tilespmem:s18], [sflag:$0x2], $0x80, s28, s12, $0xb8;
	[tilespmem:$0x1F000] =	vst v63  }
0x43: {  	_ =	swait.ge [sflag:s20], $0x4000  }
0x44: {  	[sflag:s20] =	ssyncset.done $0x0  }
0x45: {  	s29 =	simm.s32 $0x180;
	[sflag:s20] =	ssyncadd.s32 $0xFFFFC000  }
0x46: {  	[tilespmem:s18], [sflag:$0x1] =	stream.indirect.gather [hbm4b:s1+s12], $0x80, s29, s12, $0xb8;
	[tilespmem:$0x1F000] =	vst v63  }
0x47: {  	_ =	swait.ge [sflag:s19], $0x4000  }
0x48: {  	[sflag:s19] =	ssyncset.done $0x0  }
0x49: {  	s30 =	rddreg [dreg:$0x9];
	[sflag:s19] =	ssyncadd.s32 $0xFFFFC000  }
0x4a: {  	[spmem:s3] =	stream.indirect.scatter.add.f32 [tilespmem:s18], [sflag:$0x2], $0x80, s30, s12, $0xb8;
	[tilespmem:$0x1F000] =	vst v63  }
0x4b: {  	_ =	swait.ge [sflag:s20], $0x4000  }
0x4c: {  	[sflag:s20] =	ssyncset.done $0x0  }
0x4d: {  	s31 =	simm.s32 $0x200;
	[sflag:s20] =	ssyncadd.s32 $0xFFFFC000  }
0x4e: {  	[tilespmem:s18], [sflag:$0x1] =	stream.indirect.gather [hbm4b:s1+s12], $0x80, s31, s12, $0xb8;
	[tilespmem:$0x1F000] =	vst v63  }
0x4f: {  	_ =	swait.ge [sflag:s19], $0x4000  }
0x50: {  	[sflag:s19] =	ssyncset.done $0x0  }
0x51: {  	s25 =	rddreg [dreg:$0xa];
	[sflag:s19] =	ssyncadd.s32 $0xFFFFC000  }
0x52: {  	[spmem:s3] =	stream.indirect.scatter.add.f32 [tilespmem:s18], [sflag:$0x2], $0x80, s25, s12, $0xb8;
	[tilespmem:$0x1F000] =	vst v63  }
0x53: {  	_ =	swait.ge [sflag:s20], $0x4000  }
0x54: {  	[sflag:s20] =	ssyncset.done $0x0  }
0x55: {  	s26 =	simm.s32 $0x280;
	[sflag:s20] =	ssyncadd.s32 $0xFFFFC000  }
0x56: {  	[tilespmem:s18], [sflag:$0x1] =	stream.indirect.gather [hbm4b:s1+s12], $0x80, s26, s12, $0xb8;
	[tilespmem:$0x1F000] =	vst v63  }
0x57: {  	_ =	swait.ge [sflag:s19], $0x4000  }
0x58: {  	[sflag:s19] =	ssyncset.done $0x0  }
0x59: {  	s28 =	rddreg [dreg:$0xb];
	[sflag:s19] =	ssyncadd.s32 $0xFFFFC000  }
0x5a: {  	[spmem:s3] =	stream.indirect.scatter.add.f32 [tilespmem:s18], [sflag:$0x2], $0x80, s28, s12, $0xb8;
	[tilespmem:$0x1F000] =	vst v63  }
0x5b: {  	_ =	swait.ge [sflag:s20], $0x4000  }
0x5c: {  	[sflag:s20] =	ssyncset.done $0x0  }
0x5d: {  	s29 =	simm.s32 $0x300;
	[sflag:s20] =	ssyncadd.s32 $0xFFFFC000  }
0x5e: {  	[tilespmem:s18], [sflag:$0x1] =	stream.indirect.gather [hbm4b:s1+s12], $0x80, s29, s12, $0xb8;
	[tilespmem:$0x1F000] =	vst v63  }
0x5f: {  	_ =	swait.ge [sflag:s19], $0x4000  }
0x60: {  	[sflag:s19] =	ssyncset.done $0x0  }
0x61: {  	s30 =	rddreg [dreg:$0xc];
	[sflag:s19] =	ssyncadd.s32 $0xFFFFC000  }
0x62: {  	[spmem:s3] =	stream.indirect.scatter.add.f32 [tilespmem:s18], [sflag:$0x2], $0x80, s30, s12, $0xb8;
	[tilespmem:$0x1F000] =	vst v63  }
0x63: {  	_ =	swait.ge [sflag:s20], $0x4000  }
0x64: {  	[sflag:s20] =	ssyncset.done $0x0  }
0x65: {  	s31 =	simm.s32 $0x380;
	[sflag:s20] =	ssyncadd.s32 $0xFFFFC000  }
0x66: {  	[tilespmem:s18], [sflag:$0x1] =	stream.indirect.gather [hbm4b:s1+s12], $0x80, s31, s12, $0xb8;
	[tilespmem:$0x1F000] =	vst v63  }
0x67: {  	_ =	swait.ge [sflag:s19], $0x4000  }
0x68: {  	[sflag:s19] =	ssyncset.done $0x0  }
0x69: {  	s25 =	rddreg [dreg:$0xd];
	[sflag:s19] =	ssyncadd.s32 $0xFFFFC000  }
0x6a: {  	[spmem:s3] =	stream.indirect.scatter.add.f32 [tilespmem:s18], [sflag:$0x2], $0x80, s25, s12, $0xb8;
	[tilespmem:$0x1F000] =	vst v63  }
0x6b: {  	s25 =	smin.u32 s4, $0x7;
	_ =	swait.ge [sflag:s20], $0x4000  }
0x6c: {  	s25 =	sshll.u32 s25, $0x7;
	s26 =	rddreg [dreg:$0x5];
	[sflag:s20] =	ssyncset.done $0x0  }
0x6d: {  	[sflag:s20] =	ssyncadd.s32 $0xFFFFC000;
	s24 =	sadd.s32 s25, s26  }
0x6e: {  	[tilespmem:s14], [sflag:$0x3] =	stream.linear.gather [hbm4b:s24+s4], $0x400, $0x38;
	[tilespmem:$0x1F000] =	vst v63  }
0x6f: {  	_ =	swait.ge [sflag:s21], $0x400  }
0x70: {  	[sflag:s21] =	ssyncset.done $0x0  }
0x71: {  	s28 =	simm.s32 $0x400;
	[sflag:s21] =	ssyncadd.s32 $0xFFFFFC00  }
0x72: {  	[tilespmem:s18], [sflag:$0x1] =	stream.indirect.gather [hbm4b:s1+s12], $0x80, s28, s12, $0xb8;
	[tilespmem:$0x1F000] =	vst v63  }
0x73: {  	_ =	swait.ge [sflag:s19], $0x4000  }
0x74: {  	[sflag:s19] =	ssyncset.done $0x0  }
0x75: {  	[sflag:s19] =	ssyncadd.s32 $0xFFFFC000  }
0x76: {  	[spmem:s3] =	stream.indirect.scatter.add.f32 [tilespmem:s18], [sflag:$0x2], $0x80, s16, s12, $0xb8;
	[tilespmem:$0x1F000] =	vst v63  }
0x77: {  	_ =	swait.ge [sflag:s20], $0x4000  }
0x78: {  	[sflag:s20] =	ssyncset.done $0x0  }
0x79: {  	s29 =	simm.s32 $0x480;
	[sflag:s20] =	ssyncadd.s32 $0xFFFFC000  }
0x7a: {  	[tilespmem:s18], [sflag:$0x1] =	stream.indirect.gather [hbm4b:s1+s12], $0x80, s29, s12, $0xb8;
	[tilespmem:$0x1F000] =	vst v63  }
0x7b: {  	_ =	swait.ge [sflag:s19], $0x4000  }
0x7c: {  	[sflag:s19] =	ssyncset.done $0x0  }
0x7d: {  	s30 =	rddreg [dreg:$0xe];
	[sflag:s19] =	ssyncadd.s32 $0xFFFFC000  }
0x7e: {  	[spmem:s3] =	stream.indirect.scatter.add.f32 [tilespmem:s18], [sflag:$0x2], $0x80, s30, s12, $0xb8;
	[tilespmem:$0x1F000] =	vst v63  }
0x7f: {  	_ =	swait.ge [sflag:s20], $0x4000  }
0x80: {  	[sflag:s20] =	ssyncset.done $0x0  }
0x81: {  	s31 =	simm.s32 $0x500;
	[sflag:s20] =	ssyncadd.s32 $0xFFFFC000  }
0x82: {  	[tilespmem:s18], [sflag:$0x1] =	stream.indirect.gather [hbm4b:s1+s12], $0x80, s31, s12, $0xb8;
	[tilespmem:$0x1F000] =	vst v63  }
0x83: {  	_ =	swait.ge [sflag:s19], $0x4000  }
0x84: {  	[sflag:s19] =	ssyncset.done $0x0  }
0x85: {  	s25 =	rddreg [dreg:$0xf];
	[sflag:s19] =	ssyncadd.s32 $0xFFFFC000  }
0x86: {  	[spmem:s3] =	stream.indirect.scatter.add.f32 [tilespmem:s18], [sflag:$0x2], $0x80, s25, s12, $0xb8;
	[tilespmem:$0x1F000] =	vst v63  }
0x87: {  	_ =	swait.ge [sflag:s20], $0x4000  }
0x88: {  	[sflag:s20] =	ssyncset.done $0x0  }
0x89: {  	s26 =	simm.s32 $0x580;
	[sflag:s20] =	ssyncadd.s32 $0xFFFFC000  }
0x8a: {  	[tilespmem:s18], [sflag:$0x1] =	stream.indirect.gather [hbm4b:s1+s12], $0x80, s26, s12, $0xb8;
	[tilespmem:$0x1F000] =	vst v63  }
0x8b: {  	_ =	swait.ge [sflag:s19], $0x4000  }
0x8c: {  	[sflag:s19] =	ssyncset.done $0x0  }
0x8d: {  	s28 =	rddreg [dreg:$0x10];
	[sflag:s19] =	ssyncadd.s32 $0xFFFFC000  }
0x8e: {  	[spmem:s3] =	stream.indirect.scatter.add.f32 [tilespmem:s18], [sflag:$0x2], $0x80, s28, s12, $0xb8;
	[tilespmem:$0x1F000] =	vst v63  }
0x8f: {  	_ =	swait.ge [sflag:s20], $0x4000  }
0x90: {  	[sflag:s20] =	ssyncset.done $0x0  }
0x91: {  	s29 =	simm.s32 $0x600;
	[sflag:s20] =	ssyncadd.s32 $0xFFFFC000  }
0x92: {  	[tilespmem:s18], [sflag:$0x1] =	stream.indirect.gather [hbm4b:s1+s12], $0x80, s29, s12, $0xb8;
	[tilespmem:$0x1F000] =	vst v63  }
0x93: {  	_ =	swait.ge [sflag:s19], $0x4000  }
0x94: {  	[sflag:s19] =	ssyncset.done $0x0  }
0x95: {  	s30 =	rddreg [dreg:$0x11];
	[sflag:s19] =	ssyncadd.s32 $0xFFFFC000  }
0x96: {  	[spmem:s3] =	stream.indirect.scatter.add.f32 [tilespmem:s18], [sflag:$0x2], $0x80, s30, s12, $0xb8;
	[tilespmem:$0x1F000] =	vst v63  }
0x97: {  	_ =	swait.ge [sflag:s20], $0x4000  }
0x98: {  	[sflag:s20] =	ssyncset.done $0x0  }
0x99: {  	s31 =	simm.s32 $0x680;
	[sflag:s20] =	ssyncadd.s32 $0xFFFFC000  }
0x9a: {  	[tilespmem:s18], [sflag:$0x1] =	stream.indirect.gather [hbm4b:s1+s12], $0x80, s31, s12, $0xb8;
	[tilespmem:$0x1F000] =	vst v63  }
0x9b: {  	_ =	swait.ge [sflag:s19], $0x4000  }
0x9c: {  	[sflag:s19] =	ssyncset.done $0x0  }
0x9d: {  	s25 =	rddreg [dreg:$0x12];
	[sflag:s19] =	ssyncadd.s32 $0xFFFFC000  }
0x9e: {  	[spmem:s3] =	stream.indirect.scatter.add.f32 [tilespmem:s18], [sflag:$0x2], $0x80, s25, s12, $0xb8;
	[tilespmem:$0x1F000] =	vst v63  }
0x9f: {  	_ =	swait.ge [sflag:s20], $0x4000  }
0xa0: {  	[sflag:s20] =	ssyncset.done $0x0  }
0xa1: {  	s26 =	simm.s32 $0x700;
	[sflag:s20] =	ssyncadd.s32 $0xFFFFC000  }
0xa2: {  	[tilespmem:s18], [sflag:$0x1] =	stream.indirect.gather [hbm4b:s1+s12], $0x80, s26, s12, $0xb8;
	[tilespmem:$0x1F000] =	vst v63  }
0xa3: {  	_ =	swait.ge [sflag:s19], $0x4000  }
0xa4: {  	[sflag:s19] =	ssyncset.done $0x0  }
0xa5: {  	s28 =	rddreg [dreg:$0x13];
	[sflag:s19] =	ssyncadd.s32 $0xFFFFC000  }
0xa6: {  	[spmem:s3] =	stream.indirect.scatter.add.f32 [tilespmem:s18], [sflag:$0x2], $0x80, s28, s12, $0xb8;
	[tilespmem:$0x1F000] =	vst v63  }
0xa7: {  	_ =	swait.ge [sflag:s20], $0x4000  }
0xa8: {  	[sflag:s20] =	ssyncset.done $0x0  }
0xa9: {  	s29 =	simm.s32 $0x780;
	[sflag:s20] =	ssyncadd.s32 $0xFFFFC000  }
0xaa: {  	[tilespmem:s18], [sflag:$0x1] =	stream.indirect.gather [hbm4b:s1+s12], $0x80, s29, s12, $0xb8;
	[tilespmem:$0x1F000] =	vst v63  }
0xab: {  	_ =	swait.ge [sflag:s19], $0x4000  }
0xac: {  	[sflag:s19] =	ssyncset.done $0x0  }
0xad: {  	s30 =	rddreg [dreg:$0x14];
	[sflag:s19] =	ssyncadd.s32 $0xFFFFC000  }
0xae: {  	[spmem:s3] =	stream.indirect.scatter.add.f32 [tilespmem:s18], [sflag:$0x2], $0x80, s30, s12, $0xb8;
	[tilespmem:$0x1F000] =	vst v63  }
0xaf: {  	s24 =	simm.s32 $0x2000;
	s26 =	smin.u32 s4, $0x6;
	_ =	swait.ge [sflag:s20], $0x4000  }
0xb0: {  	s26 =	sshll.u32 s26, $0x7;
	s31 =	rddreg [dreg:$0x6];
	[sflag:s20] =	ssyncset.done $0x0  }
0xb1: {  	s25 =	simm.s32 $0x2;
	[sflag:s20] =	ssyncadd.s32 $0xFFFFC000;
	s26 =	sadd.s32 s26, s31  }
.LBB2_2:
0xb2: {  	[tilespmem:s16], [sflag:$0x4] =	stream.linear.gather [hbm4b:s26+s4], $0x400, $0x38;
	[tilespmem:$0x1F000] =	vst v63  }
0xb3: {  	_ =	swait.ge [sflag:s17], $0x400  }
0xb4: {  	s28 =	smov.u32 s24;
	[sflag:s17] =	ssyncset.done $0x0  }
0xb5: {  	s26 =	sshra.s32 s28, $0x2;
	[sflag:s17] =	ssyncadd.s32 $0xFFFFFC00  }
0xb6: {  	[tilespmem:s18], [sflag:$0x1] =	stream.indirect.gather [hbm4b:s1+s12], $0x80, s26, s12, $0xb8;
	[tilespmem:$0x1F000] =	vst v63  }
0xb7: {  	_ =	swait.ge [sflag:s19], $0x4000  }
0xb8: {  	[sflag:s19] =	ssyncset.done $0x0  }
0xb9: {  	[sflag:s19] =	ssyncadd.s32 $0xFFFFC000  }
0xba: {  	[spmem:s3] =	stream.indirect.scatter.add.f32 [tilespmem:s18], [sflag:$0x2], $0x80, s14, s12, $0xb8;
	[tilespmem:$0x1F000] =	vst v63  }
0xbb: {  	_ =	swait.ge [sflag:s20], $0x4000  }
0xbc: {  	[sflag:s20] =	ssyncset.done $0x0  }
0xbd: {  	s28 =	sadd.s32 $0x80, s26;
	[sflag:s20] =	ssyncadd.s32 $0xFFFFC000  }
0xbe: {  	[tilespmem:s18], [sflag:$0x1] =	stream.indirect.gather [hbm4b:s1+s12], $0x80, s28, s12, $0xb8;
	[tilespmem:$0x1F000] =	vst v63  }
0xbf: {  	_ =	swait.ge [sflag:s19], $0x4000  }
0xc0: {  	[sflag:s19] =	ssyncset.done $0x0  }
0xc1: {  	s29 =	rddreg [dreg:$0x7];
	[sflag:s19] =	ssyncadd.s32 $0xFFFFC000  }
0xc2: {  	[spmem:s3] =	stream.indirect.scatter.add.f32 [tilespmem:s18], [sflag:$0x2], $0x80, s29, s12, $0xb8;
	[tilespmem:$0x1F000] =	vst v63  }
0xc3: {  	_ =	swait.ge [sflag:s20], $0x4000  }
0xc4: {  	[sflag:s20] =	ssyncset.done $0x0  }
0xc5: {  	s30 =	sadd.s32 $0x100, s26;
	[sflag:s20] =	ssyncadd.s32 $0xFFFFC000  }
0xc6: {  	[tilespmem:s18], [sflag:$0x1] =	stream.indirect.gather [hbm4b:s1+s12], $0x80, s30, s12, $0xb8;
	[tilespmem:$0x1F000] =	vst v63  }
0xc7: {  	_ =	swait.ge [sflag:s19], $0x4000  }
0xc8: {  	[sflag:s19] =	ssyncset.done $0x0  }
0xc9: {  	s31 =	rddreg [dreg:$0x8];
	[sflag:s19] =	ssyncadd.s32 $0xFFFFC000  }
0xca: {  	[spmem:s3] =	stream.indirect.scatter.add.f32 [tilespmem:s18], [sflag:$0x2], $0x80, s31, s12, $0xb8;
	[tilespmem:$0x1F000] =	vst v63  }
0xcb: {  	_ =	swait.ge [sflag:s20], $0x4000  }
0xcc: {  	[sflag:s20] =	ssyncset.done $0x0  }
0xcd: {  	s29 =	sadd.s32 $0x180, s26;
	[sflag:s20] =	ssyncadd.s32 $0xFFFFC000  }
0xce: {  	[tilespmem:s18], [sflag:$0x1] =	stream.indirect.gather [hbm4b:s1+s12], $0x80, s29, s12, $0xb8;
	[tilespmem:$0x1F000] =	vst v63  }
0xcf: {  	_ =	swait.ge [sflag:s19], $0x4000  }
0xd0: {  	[sflag:s19] =	ssyncset.done $0x0  }
0xd1: {  	s30 =	rddreg [dreg:$0x9];
	[sflag:s19] =	ssyncadd.s32 $0xFFFFC000  }
0xd2: {  	[spmem:s3] =	stream.indirect.scatter.add.f32 [tilespmem:s18], [sflag:$0x2], $0x80, s30, s12, $0xb8;
	[tilespmem:$0x1F000] =	vst v63  }
0xd3: {  	_ =	swait.ge [sflag:s20], $0x4000  }
0xd4: {  	[sflag:s20] =	ssyncset.done $0x0  }
0xd5: {  	s31 =	sadd.s32 $0x200, s26;
	[sflag:s20] =	ssyncadd.s32 $0xFFFFC000  }
0xd6: {  	[tilespmem:s18], [sflag:$0x1] =	stream.indirect.gather [hbm4b:s1+s12], $0x80, s31, s12, $0xb8;
	[tilespmem:$0x1F000] =	vst v63  }
0xd7: {  	_ =	swait.ge [sflag:s19], $0x4000  }
0xd8: {  	[sflag:s19] =	ssyncset.done $0x0  }
0xd9: {  	s29 =	rddreg [dreg:$0xa];
	[sflag:s19] =	ssyncadd.s32 $0xFFFFC000  }
0xda: {  	[spmem:s3] =	stream.indirect.scatter.add.f32 [tilespmem:s18], [sflag:$0x2], $0x80, s29, s12, $0xb8;
	[tilespmem:$0x1F000] =	vst v63  }
0xdb: {  	_ =	swait.ge [sflag:s20], $0x4000  }
0xdc: {  	[sflag:s20] =	ssyncset.done $0x0  }
0xdd: {  	s30 =	sadd.s32 $0x280, s26;
	[sflag:s20] =	ssyncadd.s32 $0xFFFFC000  }
0xde: {  	[tilespmem:s18], [sflag:$0x1] =	stream.indirect.gather [hbm4b:s1+s12], $0x80, s30, s12, $0xb8;
	[tilespmem:$0x1F000] =	vst v63  }
0xdf: {  	_ =	swait.ge [sflag:s19], $0x4000  }
0xe0: {  	[sflag:s19] =	ssyncset.done $0x0  }
0xe1: {  	s31 =	rddreg [dreg:$0xb];
	[sflag:s19] =	ssyncadd.s32 $0xFFFFC000  }
0xe2: {  	[spmem:s3] =	stream.indirect.scatter.add.f32 [tilespmem:s18], [sflag:$0x2], $0x80, s31, s12, $0xb8;
	[tilespmem:$0x1F000] =	vst v63  }
0xe3: {  	_ =	swait.ge [sflag:s20], $0x4000  }
0xe4: {  	[sflag:s20] =	ssyncset.done $0x0  }
0xe5: {  	s29 =	sadd.s32 $0x300, s26;
	[sflag:s20] =	ssyncadd.s32 $0xFFFFC000  }
0xe6: {  	[tilespmem:s18], [sflag:$0x1] =	stream.indirect.gather [hbm4b:s1+s12], $0x80, s29, s12, $0xb8;
	[tilespmem:$0x1F000] =	vst v63  }
0xe7: {  	_ =	swait.ge [sflag:s19], $0x4000  }
0xe8: {  	[sflag:s19] =	ssyncset.done $0x0  }
0xe9: {  	s30 =	rddreg [dreg:$0xc];
	[sflag:s19] =	ssyncadd.s32 $0xFFFFC000  }
0xea: {  	[spmem:s3] =	stream.indirect.scatter.add.f32 [tilespmem:s18], [sflag:$0x2], $0x80, s30, s12, $0xb8;
	[tilespmem:$0x1F000] =	vst v63  }
0xeb: {  	_ =	swait.ge [sflag:s20], $0x4000  }
0xec: {  	[sflag:s20] =	ssyncset.done $0x0  }
0xed: {  	s31 =	sadd.s32 $0x380, s26;
	[sflag:s20] =	ssyncadd.s32 $0xFFFFC000  }
0xee: {  	[tilespmem:s18], [sflag:$0x1] =	stream.indirect.gather [hbm4b:s1+s12], $0x80, s31, s12, $0xb8;
	[tilespmem:$0x1F000] =	vst v63  }
0xef: {  	_ =	swait.ge [sflag:s19], $0x4000  }
0xf0: {  	[sflag:s19] =	ssyncset.done $0x0  }
0xf1: {  	s29 =	rddreg [dreg:$0xd];
	[sflag:s19] =	ssyncadd.s32 $0xFFFFC000  }
0xf2: {  	[spmem:s3] =	stream.indirect.scatter.add.f32 [tilespmem:s18], [sflag:$0x2], $0x80, s29, s12, $0xb8;
	[tilespmem:$0x1F000] =	vst v63  }
0xf3: {  	s29 =	smin.u32 s25, $0x7;
	_ =	swait.ge [sflag:s20], $0x4000  }
0xf4: {  	s29 =	sshll.u32 s29, $0x7;
	s30 =	rddreg [dreg:$0x5];
	[sflag:s20] =	ssyncset.done $0x0  }
0xf5: {  	[sflag:s20] =	ssyncadd.s32 $0xFFFFC000;
	s28 =	sadd.s32 s29, s30  }
0xf6: {  	[tilespmem:s14], [sflag:$0x3] =	stream.linear.gather [hbm4b:s28+s4], $0x400, $0x38;
	[tilespmem:$0x1F000] =	vst v63  }
0xf7: {  	_ =	swait.ge [sflag:s21], $0x400  }
0xf8: {  	[sflag:s21] =	ssyncset.done $0x0  }
0xf9: {  	s31 =	sadd.s32 $0x400, s26;
	[sflag:s21] =	ssyncadd.s32 $0xFFFFFC00  }
0xfa: {  	[tilespmem:s18], [sflag:$0x1] =	stream.indirect.gather [hbm4b:s1+s12], $0x80, s31, s12, $0xb8;
	[tilespmem:$0x1F000] =	vst v63  }
0xfb: {  	_ =	swait.ge [sflag:s19], $0x4000  }
0xfc: {  	[sflag:s19] =	ssyncset.done $0x0  }
0xfd: {  	[sflag:s19] =	ssyncadd.s32 $0xFFFFC000  }
0xfe: {  	[spmem:s3] =	stream.indirect.scatter.add.f32 [tilespmem:s18], [sflag:$0x2], $0x80, s16, s12, $0xb8;
	[tilespmem:$0x1F000] =	vst v63  }
0xff: {  	_ =	swait.ge [sflag:s20], $0x4000  }
0x100: {  	[sflag:s20] =	ssyncset.done $0x0  }
0x101: {  	s29 =	sadd.s32 $0x480, s26;
	[sflag:s20] =	ssyncadd.s32 $0xFFFFC000  }
0x102: {  	[tilespmem:s18], [sflag:$0x1] =	stream.indirect.gather [hbm4b:s1+s12], $0x80, s29, s12, $0xb8;
	[tilespmem:$0x1F000] =	vst v63  }
0x103: {  	_ =	swait.ge [sflag:s19], $0x4000  }
0x104: {  	[sflag:s19] =	ssyncset.done $0x0  }
0x105: {  	s30 =	rddreg [dreg:$0xe];
	[sflag:s19] =	ssyncadd.s32 $0xFFFFC000  }
0x106: {  	[spmem:s3] =	stream.indirect.scatter.add.f32 [tilespmem:s18], [sflag:$0x2], $0x80, s30, s12, $0xb8;
	[tilespmem:$0x1F000] =	vst v63  }
0x107: {  	_ =	swait.ge [sflag:s20], $0x4000  }
0x108: {  	[sflag:s20] =	ssyncset.done $0x0  }
0x109: {  	s31 =	sadd.s32 $0x500, s26;
	[sflag:s20] =	ssyncadd.s32 $0xFFFFC000  }
0x10a: {  	[tilespmem:s18], [sflag:$0x1] =	stream.indirect.gather [hbm4b:s1+s12], $0x80, s31, s12, $0xb8;
	[tilespmem:$0x1F000] =	vst v63  }
0x10b: {  	_ =	swait.ge [sflag:s19], $0x4000  }
0x10c: {  	[sflag:s19] =	ssyncset.done $0x0  }
0x10d: {  	s29 =	rddreg [dreg:$0xf];
	[sflag:s19] =	ssyncadd.s32 $0xFFFFC000  }
0x10e: {  	[spmem:s3] =	stream.indirect.scatter.add.f32 [tilespmem:s18], [sflag:$0x2], $0x80, s29, s12, $0xb8;
	[tilespmem:$0x1F000] =	vst v63  }
0x10f: {  	_ =	swait.ge [sflag:s20], $0x4000  }
0x110: {  	[sflag:s20] =	ssyncset.done $0x0  }
0x111: {  	s30 =	sadd.s32 $0x580, s26;
	[sflag:s20] =	ssyncadd.s32 $0xFFFFC000  }
0x112: {  	[tilespmem:s18], [sflag:$0x1] =	stream.indirect.gather [hbm4b:s1+s12], $0x80, s30, s12, $0xb8;
	[tilespmem:$0x1F000] =	vst v63  }
0x113: {  	_ =	swait.ge [sflag:s19], $0x4000  }
0x114: {  	[sflag:s19] =	ssyncset.done $0x0  }
0x115: {  	s31 =	rddreg [dreg:$0x10];
	[sflag:s19] =	ssyncadd.s32 $0xFFFFC000  }
0x116: {  	[spmem:s3] =	stream.indirect.scatter.add.f32 [tilespmem:s18], [sflag:$0x2], $0x80, s31, s12, $0xb8;
	[tilespmem:$0x1F000] =	vst v63  }
0x117: {  	_ =	swait.ge [sflag:s20], $0x4000  }
0x118: {  	[sflag:s20] =	ssyncset.done $0x0  }
0x119: {  	s29 =	sadd.s32 $0x600, s26;
	[sflag:s20] =	ssyncadd.s32 $0xFFFFC000  }
0x11a: {  	[tilespmem:s18], [sflag:$0x1] =	stream.indirect.gather [hbm4b:s1+s12], $0x80, s29, s12, $0xb8;
	[tilespmem:$0x1F000] =	vst v63  }
0x11b: {  	_ =	swait.ge [sflag:s19], $0x4000  }
0x11c: {  	[sflag:s19] =	ssyncset.done $0x0  }
0x11d: {  	s30 =	rddreg [dreg:$0x11];
	[sflag:s19] =	ssyncadd.s32 $0xFFFFC000  }
0x11e: {  	[spmem:s3] =	stream.indirect.scatter.add.f32 [tilespmem:s18], [sflag:$0x2], $0x80, s30, s12, $0xb8;
	[tilespmem:$0x1F000] =	vst v63  }
0x11f: {  	_ =	swait.ge [sflag:s20], $0x4000  }
0x120: {  	[sflag:s20] =	ssyncset.done $0x0  }
0x121: {  	s31 =	sadd.s32 $0x680, s26;
	[sflag:s20] =	ssyncadd.s32 $0xFFFFC000  }
0x122: {  	[tilespmem:s18], [sflag:$0x1] =	stream.indirect.gather [hbm4b:s1+s12], $0x80, s31, s12, $0xb8;
	[tilespmem:$0x1F000] =	vst v63  }
0x123: {  	_ =	swait.ge [sflag:s19], $0x4000  }
0x124: {  	[sflag:s19] =	ssyncset.done $0x0  }
0x125: {  	s29 =	rddreg [dreg:$0x12];
	[sflag:s19] =	ssyncadd.s32 $0xFFFFC000  }
0x126: {  	[spmem:s3] =	stream.indirect.scatter.add.f32 [tilespmem:s18], [sflag:$0x2], $0x80, s29, s12, $0xb8;
	[tilespmem:$0x1F000] =	vst v63  }
0x127: {  	_ =	swait.ge [sflag:s20], $0x4000  }
0x128: {  	[sflag:s20] =	ssyncset.done $0x0  }
0x129: {  	s30 =	sadd.s32 $0x700, s26;
	[sflag:s20] =	ssyncadd.s32 $0xFFFFC000  }
0x12a: {  	[tilespmem:s18], [sflag:$0x1] =	stream.indirect.gather [hbm4b:s1+s12], $0x80, s30, s12, $0xb8;
	[tilespmem:$0x1F000] =	vst v63  }
0x12b: {  	_ =	swait.ge [sflag:s19], $0x4000  }
0x12c: {  	[sflag:s19] =	ssyncset.done $0x0  }
0x12d: {  	s31 =	rddreg [dreg:$0x13];
	[sflag:s19] =	ssyncadd.s32 $0xFFFFC000  }
0x12e: {  	[spmem:s3] =	stream.indirect.scatter.add.f32 [tilespmem:s18], [sflag:$0x2], $0x80, s31, s12, $0xb8;
	[tilespmem:$0x1F000] =	vst v63  }
0x12f: {  	_ =	swait.ge [sflag:s20], $0x4000  }
0x130: {  	[sflag:s20] =	ssyncset.done $0x0  }
0x131: {  	s26 =	sadd.s32 $0x780, s26;
	[sflag:s20] =	ssyncadd.s32 $0xFFFFC000  }
0x132: {  	[tilespmem:s18], [sflag:$0x1] =	stream.indirect.gather [hbm4b:s1+s12], $0x80, s26, s12, $0xb8;
	[tilespmem:$0x1F000] =	vst v63  }
0x133: {  	_ =	swait.ge [sflag:s19], $0x4000  }
0x134: {  	p0 =	sne.s32 s24, $0x8000;
	[sflag:s19] =	ssyncset.done $0x0  }
.Ltmp0:
0x135: {  	s29 =	rddreg [dreg:$0x14];
	[sflag:s19] =	ssyncadd.s32 $0xFFFFC000;
	(pc) =	sbr.rel @p0 .LBB2_2-.Ltmp0, $4  }
0x136: {  	[spmem:s3] =	stream.indirect.scatter.add.f32 [tilespmem:s18], [sflag:$0x2], $0x80, s29, s12, $0xb8;
	[tilespmem:$0x1F000] =	vst v63  }
0x137: {  	s24 =	sadd.s32 $0x2000, s24;
	s31 =	smin.u32 s25, $0x6;
	_ =	swait.ge [sflag:s20], $0x4000  }
0x138: {  	s28 =	sshll.u32 s31, $0x7;
	[sflag:s20] =	ssyncset.done $0x0;
	s30 =	rddreg [dreg:$0x6]  }
0x139: {  	s25 =	sadd.s32 $0x2, s25;
	[sflag:s20] =	ssyncadd.s32 $0xFFFFC000;
	s26 =	sadd.s32 s28, s30  }
0x13a: {  	[tilespmem:s16], [sflag:$0x4] =	stream.linear.gather [hbm4b:s26+s4], $0x400, $0x38;
	[tilespmem:$0x1F000] =	vst v63  }
0x13b: {  	_ =	swait.ge [sflag:s17], $0x400  }
0x13c: {  	[sflag:s17] =	ssyncset.done $0x0  }
0x13d: {  	[sflag:s17] =	ssyncadd.s32 $0xFFFFFC00  }
0x13e: {  	_ =	swait.ge [sflag:s21], $0x400  }
0x13f: {  	s23 =	sadd.s32 $0x1, s23;
	[sflag:s21] =	ssyncset.done $0x0  }
0x140: {  	p0 =	sne.s32 s23, s9;
	[sflag:s21] =	ssyncadd.s32 $0xFFFFFC00  }
.Ltmp1:
0x141: {  	[bflag:$0x0] =	sbarrier.arrive $0xFFFF;
	(pc) =	sbr.rel @p0 .LBB2_1-.Ltmp1, $4  }
0x142: {  	[hbm:s22], [sflag:s7] =	dma.local [spmem:s10], $0x2800  }
0x143: {  	_ =	swait.ge [sflag:s11], $0x2800  }
0x144: {  	[sflag:s11] =	ssyncset.done $0x0  }
0x145: {  	[sflag:s11] =	ssyncadd.s32 $0xFFFFD800  }
0x146: {  	_ =	sfence.sel $0x180000  }
0x147: {  	[bflag:$0x0] =	sbarrier.arrive $0xFFFF  }
0x148: {  	p0 =	sne.s32 s0, $0x0;
	_ =	strace $0x90000047  }
0x149: {  	s0 =	sadd.s32 @!p0 $0x100000, s2;
	[bflag:$0x2] =	sbarrier.arrive $0xFFFF  }
0x14a: {  	[sflag:s0] =	ssyncadd.tile.s32 @!p0 $0x1;
	_ =	shalt  }
.Lfunc_end2:
_tile_overlayer_lowered:
.L_overlay_start_2:
0x14b: {  	(tag) =	ssettag $0x2  }
0x14c: {  	s0 =	rddreg [dreg:$0x0];
	s2 =	stileid.u32  }
0x14d: {  	s1 =	rddreg [dreg:$0x1];
	p0 =	sne.s32 s2, $0x0  }
0x14e: {  	s3 =	rddreg [dreg:$0x2];
	[bflag:$0x3] =	sbarrier.arrive $0xFFFF;
	s2 =	simm.s32 @!p0 $0x1C05  }
0x14f: {  	[timem:s3], [sflag:s2] =	dma.local @!p0 [hbm:s0], s1  }
0x150: {  	s0 =	simm.s32 @!p0 $0x5  }
0x151: {  	_ =	swait.ge @!p0 [sflag:s0], s1  }
0x152: {  	s1 =	ssub.s32 @!p0 $0x0, s1;
	[sflag:s0] =	ssyncset.done @!p0 $0x0  }
0x153: {  	[sflag:s0] =	ssyncadd.s32 @!p0 s1  }
0x154: {  	[bflag:$0x3] =	sbarrier.arrive $0xFFFF  }
0x155: {  	_ =	shalt  }

</sc_bundles>
